<compile_context>
chip_gen: v7x
topology: tpu7x:2x2x1
jax: 0.10.2.dev20260603
libtpu: 0.0.44.dev20260713+nightly
codegen_flags: <defaults>
</compile_context>

<pallas_src>
import functools

import jax
import jax.numpy as jnp
from jax import lax
from jax.experimental import pallas as pl
from jax.experimental.pallas import tpu as pltpu
from jax.experimental.pallas import tpu_sc as plsc

N = 262144
C = 21
K = 1024
HIST = 2 * C * K
B = 2048
NW = 32
PIECES = 1
NP = N // PIECES
CHUNK = 11264
NCH = 11 * NP // (NW * CHUNK)


def _binize_body(lt_ref, lab_ref, out_ref):
    l = lt_ref[...]
    m = jnp.max(l, axis=0, keepdims=True)
    ex = jnp.exp(l - m)
    s = jnp.sum(ex, axis=0, keepdims=True)
    p = ex / s
    lab = lab_ref[0]
    cls = lax.broadcasted_iota(jnp.int32, (C, B), 0)
    fgm = lab == cls
    e = jnp.where(fgm, p, 1.0 - p)
    b = jnp.clip((e * K).astype(jnp.int32), 0, K - 1)
    idx_cnt = b + cls * K
    e_fg = jnp.sum(jnp.where(fgm, e, 0.0), axis=0, keepdims=True)
    b_fg = jnp.clip((e_fg * K).astype(jnp.int32), 0, K - 1)
    idx_fg = b_fg + lab * K + C * K
    x22 = jnp.concatenate([idx_cnt, idx_fg], axis=0)
    out_ref[...] = x22[:11] | (x22[11:] << 16)


def _hist_body(idx_hbm, out_hbm, buf0, buf1, hist_v, sem0, sem1):
    wid = lax.axis_index("s") * 2 + lax.axis_index("c")

    def zero_step(i, _):
        hist_v[pl.ds(i * 16, 16)] = jnp.zeros((16,), jnp.float32)
        return 0

    lax.fori_loop(0, HIST // 16, zero_step, 0, unroll=8)

    ones = jnp.ones((16,), jnp.float32)
    mask16 = jnp.full((16,), 0xFFFF, jnp.int32)

    bufs = (buf0, buf1)
    sems = (sem0, sem1)
    base = wid * NCH
    pltpu.make_async_copy(idx_hbm.at[base], buf0, sem0).start()
    for j in range(NCH):
        buf = bufs[j % 2]
        sem = sems[j % 2]
        if j + 1 < NCH:
            pltpu.make_async_copy(
                idx_hbm.at[base + j + 1], bufs[(j + 1) % 2], sems[(j + 1) % 2]
            ).start()
        pltpu.make_async_copy(idx_hbm.at[base + j], buf, sem).wait()

        def scat_step(i, _):
            v = buf[pl.ds(i * 16, 16)]
            lo = v & mask16
            hi = lax.shift_right_logical(v, 16)
            plsc.addupdate_scatter(hist_v, [lo], ones)
            plsc.addupdate_scatter(hist_v, [hi], ones)
            return 0

        lax.fori_loop(0, CHUNK // 16, scat_step, 0, unroll=8)
    pltpu.sync_copy(hist_v, out_hbm.at[wid])


def _hist_call(idx):
    call = functools.partial(
        pl.kernel,
        mesh=plsc.VectorSubcoreMesh(core_axis_name="c", subcore_axis_name="s"),
        compiler_params=pltpu.CompilerParams(needs_layout_passes=False),
        out_type=jax.ShapeDtypeStruct((NW, HIST), jnp.float32),
        scratch_types=[
            pltpu.VMEM((CHUNK,), jnp.int32),
            pltpu.VMEM((CHUNK,), jnp.int32),
            pltpu.VMEM((HIST,), jnp.float32),
            pltpu.SemaphoreType.DMA,
            pltpu.SemaphoreType.DMA,
        ],
    )(_hist_body)
    return call(idx)


def _finish_body(*refs):
    out_ref = refs[-1]
    s = jnp.sum(refs[0][...], axis=0)
    for r in refs[1:-1]:
        s = s + jnp.sum(r[...], axis=0)
    cnt = s[:C]
    fgc = s[C:]
    G = jnp.sum(fgc, axis=1, keepdims=True)
    row = lax.broadcasted_iota(jnp.int32, (K, K), 0)
    col = lax.broadcasted_iota(jnp.int32, (K, K), 1)
    tri = (row >= col).astype(jnp.float32)
    n = jnp.dot(cnt, tri, preferred_element_type=jnp.float32)
    f = jnp.dot(fgc, tri, preferred_element_type=jnp.float32)
    jac = n / jnp.maximum(G + n - f, 1.0)
    jac_next = jnp.concatenate([jac[:, 1:], jnp.zeros((C, 1), jnp.float32)], axis=1)
    v = (lax.broadcasted_iota(jnp.int32, (C, K), 1).astype(jnp.float32) + 0.5) * (1.0 / K)
    loss = jnp.sum(v * (jac - jac_next), axis=1, keepdims=True)
    present = (G > 0).astype(jnp.float32)
    total = jnp.sum(loss * present) / jnp.maximum(jnp.sum(present), 1.0)
    out_ref[...] = jnp.reshape(total, (1, 1))


def kernel(logits, labels):
    lab32 = labels.astype(jnp.int32)
    hist_parts = []
    for pc in range(PIECES):
        lt = logits[pc * NP:(pc + 1) * NP].T
        lab3 = lab32[pc * NP:(pc + 1) * NP].reshape(NP // B, 1, B)
        idx = pl.pallas_call(
            _binize_body,
            grid=(NP // B,),
            in_specs=[
                pl.BlockSpec((C, B), lambda i: (0, i)),
                pl.BlockSpec((1, 1, B), lambda i: (i, 0, 0)),
            ],
            out_specs=pl.BlockSpec((11, B), lambda i: (0, i)),
            out_shape=jax.ShapeDtypeStruct((11, NP), jnp.int32),
        )(lt, lab3)
        hists = _hist_call(idx.reshape(NW * NCH, CHUNK))
        hist_parts.append(hists.reshape(NW, 2 * C, K))

    out = pl.pallas_call(
        _finish_body,
        out_shape=jax.ShapeDtypeStruct((1, 1), jnp.float32),
    )(*hist_parts)
    return out[0, 0]

# --- scband reference (transcript-rebuilt; emitter-appended) ---
"""Pipeline reference for scband-lovasz-loss-47287589929014 (READ-ONLY COPY).

The authoritative reference and input builder live on the scoring server;
editing this copy changes nothing except your own understanding.
"""

import jax, jax.numpy as jnp
import numpy as np

N = 262144
C = 21


def setup_inputs(seed: int = 0) -> dict:
    key = jax.random.key(seed)
    k1, k2 = jax.random.split(key)
    logits = jax.random.normal(k1, (N, C), dtype=jnp.float32)
    labels = jax.random.randint(k2, (N,), 0, C).astype(jnp.int64)
    return {"logits": logits, "labels": labels}


def lovasz_grad(gt_sorted):
    gts = gt_sorted.sum()
    intersection = gts - jnp.cumsum(gt_sorted, axis=0)
    union = gts + jnp.cumsum(1.0 - gt_sorted, axis=0)
    jaccard = 1.0 - intersection / union
    jaccard = jnp.concatenate([jaccard[:1], jaccard[1:] - jaccard[:-1]], axis=0)
    return jaccard


def reference(logits, labels):
    probas = jax.nn.softmax(logits, axis=1)
    losses = []
    presents = []
    for c in range(C):
        fg = (labels == c).astype(jnp.float32)
        present = (fg.sum() > 0).astype(jnp.float32)
        fg_class = 1.0 - probas[:, c]
        errors = jnp.abs(fg - fg_class)
        perm = jnp.argsort(-errors)  # descending sort permutation (detached, like torch perm.data)
        errors_sorted = errors[perm]
        fg_sorted = fg[perm]
        grad = lovasz_grad(fg_sorted)
        losses.append(jnp.dot(errors_sorted, grad))
        presents.append(present)
    losses = jnp.stack(losses)
    presents = jnp.stack(presents)
    # 'present' mode: average only over classes that appear in labels
    return jnp.sum(losses * presents) / jnp.maximum(jnp.sum(presents), 1.0)

if __name__ == "__main__":
    import jax
    _d = setup_inputs()
    print(jax.jit(kernel)(*tuple(_d.values())))

</pallas_src>

<mosaic_0001>
#map = affine_map<(d0, d1) -> (0, 0)>
module attributes {stable_mosaic.version = 14 : i64} {
  func.func @_hist_body(%arg0: i32, %arg1: i32, %arg2: memref<256x11264xi32, #tpu.memory_space<hbm>>, %arg3: memref<32x43008xf32, #tpu.memory_space<hbm>>, %arg4: memref<11264xi32, #tpu.memory_space<vmem>>, %arg5: memref<11264xi32, #tpu.memory_space<vmem>>, %arg6: memref<43008xf32, #tpu.memory_space<vmem>>, %arg7: memref<!tpu.dma_semaphore, #tpu.memory_space<semaphore_mem>>, %arg8: memref<!tpu.dma_semaphore, #tpu.memory_space<semaphore_mem>>) attributes {dimension_semantics = [#tpu.dimension_semantics<core_parallel>, #tpu.dimension_semantics<subcore_parallel>], iteration_bounds = array<i64: 2, 16>, scalar_prefetch = 0 : i64, scratch_operands = 5 : i64, tpu.core_type = #tpu.core_type<sc_vector_subcore>, window_params = [{transform_indices = #map}, {transform_indices = #map}]} {
    %mul3A = arith.constant 2 : i32
    %mul3A_0 = arith.muli %arg1, %mul3A : i32
    %add3A = arith.addi %mul3A_0, %arg0 : i32
    %scan3A = arith.constant 0 : i32
    %scan3A_1 = arith.constant 0 : i32
    %scan3A_2 = arith.constant 2688 : i32
    %scan3A_3 = arith.addi %scan3A_1, %scan3A_2 : i32
    %scan3A_4 = arith.constant 8 : i32
    %scan3A_5 = scf.for %scan3A_206 = %scan3A_1 to %scan3A_3 step %scan3A_4 iter_args(%scan3A_207 = %scan3A) -> (i32)  : i32 {
      %broadcast_in_dim3A_208 = arith.constant 0.000000e+00 : f32
      %broadcast_in_dim3A_209 = vector.broadcast %broadcast_in_dim3A_208 : f32 to vector<16xf32>
      %mul3A_210 = arith.constant 16 : i32
      %mul3A_211 = arith.muli %scan3A_206, %mul3A_210 : i32
      %swap3A = arith.index_cast %mul3A_211 : i32 to index
      %swap3A_212 = tpu.vector_load %arg6[%swap3A] {strides = array<i32>} : memref<43008xf32, #tpu.memory_space<vmem>>, vector<16xf32>,
      tpu.vector_store %arg6[%swap3A], %broadcast_in_dim3A_209 {strides = array<i32>} : memref<43008xf32, #tpu.memory_space<vmem>>, vector<16xf32>,
      %scan3A_213 = arith.constant 0 : i32
      %scan3A_214 = arith.constant 1 : i32
      %scan3A_215 = arith.addi %scan3A_206, %scan3A_214 : i32
      %broadcast_in_dim3A_216 = arith.constant 0.000000e+00 : f32
      %broadcast_in_dim3A_217 = vector.broadcast %broadcast_in_dim3A_216 : f32 to vector<16xf32>
      %mul3A_218 = arith.constant 16 : i32
      %mul3A_219 = arith.muli %scan3A_215, %mul3A_218 : i32
      %swap3A_220 = arith.index_cast %mul3A_219 : i32 to index
      %swap3A_221 = tpu.vector_load %arg6[%swap3A_220] {strides = array<i32>} : memref<43008xf32, #tpu.memory_space<vmem>>, vector<16xf32>,
      tpu.vector_store %arg6[%swap3A_220], %broadcast_in_dim3A_217 {strides = array<i32>} : memref<43008xf32, #tpu.memory_space<vmem>>, vector<16xf32>,
      %scan3A_222 = arith.constant 0 : i32
      %scan3A_223 = arith.constant 2 : i32
      %scan3A_224 = arith.addi %scan3A_206, %scan3A_223 : i32
      %broadcast_in_dim3A_225 = arith.constant 0.000000e+00 : f32
      %broadcast_in_dim3A_226 = vector.broadcast %broadcast_in_dim3A_225 : f32 to vector<16xf32>
      %mul3A_227 = arith.constant 16 : i32
      %mul3A_228 = arith.muli %scan3A_224, %mul3A_227 : i32
      %swap3A_229 = arith.index_cast %mul3A_228 : i32 to index
      %swap3A_230 = tpu.vector_load %arg6[%swap3A_229] {strides = array<i32>} : memref<43008xf32, #tpu.memory_space<vmem>>, vector<16xf32>,
      tpu.vector_store %arg6[%swap3A_229], %broadcast_in_dim3A_226 {strides = array<i32>} : memref<43008xf32, #tpu.memory_space<vmem>>, vector<16xf32>,
      %scan3A_231 = arith.constant 0 : i32
      %scan3A_232 = arith.constant 3 : i32
      %scan3A_233 = arith.addi %scan3A_206, %scan3A_232 : i32
      %broadcast_in_dim3A_234 = arith.constant 0.000000e+00 : f32
      %broadcast_in_dim3A_235 = vector.broadcast %broadcast_in_dim3A_234 : f32 to vector<16xf32>
      %mul3A_236 = arith.constant 16 : i32
      %mul3A_237 = arith.muli %scan3A_233, %mul3A_236 : i32
      %swap3A_238 = arith.index_cast %mul3A_237 : i32 to index
      %swap3A_239 = tpu.vector_load %arg6[%swap3A_238] {strides = array<i32>} : memref<43008xf32, #tpu.memory_space<vmem>>, vector<16xf32>,
      tpu.vector_store %arg6[%swap3A_238], %broadcast_in_dim3A_235 {strides = array<i32>} : memref<43008xf32, #tpu.memory_space<vmem>>, vector<16xf32>,
      %scan3A_240 = arith.constant 0 : i32
      %scan3A_241 = arith.constant 4 : i32
      %scan3A_242 = arith.addi %scan3A_206, %scan3A_241 : i32
      %broadcast_in_dim3A_243 = arith.constant 0.000000e+00 : f32
      %broadcast_in_dim3A_244 = vector.broadcast %broadcast_in_dim3A_243 : f32 to vector<16xf32>
      %mul3A_245 = arith.constant 16 : i32
      %mul3A_246 = arith.muli %scan3A_242, %mul3A_245 : i32
      %swap3A_247 = arith.index_cast %mul3A_246 : i32 to index
      %swap3A_248 = tpu.vector_load %arg6[%swap3A_247] {strides = array<i32>} : memref<43008xf32, #tpu.memory_space<vmem>>, vector<16xf32>,
      tpu.vector_store %arg6[%swap3A_247], %broadcast_in_dim3A_244 {strides = array<i32>} : memref<43008xf32, #tpu.memory_space<vmem>>, vector<16xf32>,
      %scan3A_249 = arith.constant 0 : i32
      %scan3A_250 = arith.constant 5 : i32
      %scan3A_251 = arith.addi %scan3A_206, %scan3A_250 : i32
      %broadcast_in_dim3A_252 = arith.constant 0.000000e+00 : f32
      %broadcast_in_dim3A_253 = vector.broadcast %broadcast_in_dim3A_252 : f32 to vector<16xf32>
      %mul3A_254 = arith.constant 16 : i32
      %mul3A_255 = arith.muli %scan3A_251, %mul3A_254 : i32
      %swap3A_256 = arith.index_cast %mul3A_255 : i32 to index
      %swap3A_257 = tpu.vector_load %arg6[%swap3A_256] {strides = array<i32>} : memref<43008xf32, #tpu.memory_space<vmem>>, vector<16xf32>,
      tpu.vector_store %arg6[%swap3A_256], %broadcast_in_dim3A_253 {strides = array<i32>} : memref<43008xf32, #tpu.memory_space<vmem>>, vector<16xf32>,
      %scan3A_258 = arith.constant 0 : i32
      %scan3A_259 = arith.constant 6 : i32
      %scan3A_260 = arith.addi %scan3A_206, %scan3A_259 : i32
      %broadcast_in_dim3A_261 = arith.constant 0.000000e+00 : f32
      %broadcast_in_dim3A_262 = vector.broadcast %broadcast_in_dim3A_261 : f32 to vector<16xf32>
      %mul3A_263 = arith.constant 16 : i32
      %mul3A_264 = arith.muli %scan3A_260, %mul3A_263 : i32
      %swap3A_265 = arith.index_cast %mul3A_264 : i32 to index
      %swap3A_266 = tpu.vector_load %arg6[%swap3A_265] {strides = array<i32>} : memref<43008xf32, #tpu.memory_space<vmem>>, vector<16xf32>,
      tpu.vector_store %arg6[%swap3A_265], %broadcast_in_dim3A_262 {strides = array<i32>} : memref<43008xf32, #tpu.memory_space<vmem>>, vector<16xf32>,
      %scan3A_267 = arith.constant 0 : i32
      %scan3A_268 = arith.constant 7 : i32
      %scan3A_269 = arith.addi %scan3A_206, %scan3A_268 : i32
      %broadcast_in_dim3A_270 = arith.constant 0.000000e+00 : f32
      %broadcast_in_dim3A_271 = vector.broadcast %broadcast_in_dim3A_270 : f32 to vector<16xf32>
      %mul3A_272 = arith.constant 16 : i32
      %mul3A_273 = arith.muli %scan3A_269, %mul3A_272 : i32
      %swap3A_274 = arith.index_cast %mul3A_273 : i32 to index
      %swap3A_275 = tpu.vector_load %arg6[%swap3A_274] {strides = array<i32>} : memref<43008xf32, #tpu.memory_space<vmem>>, vector<16xf32>,
      tpu.vector_store %arg6[%swap3A_274], %broadcast_in_dim3A_271 {strides = array<i32>} : memref<43008xf32, #tpu.memory_space<vmem>>, vector<16xf32>,
      %scan3A_276 = arith.constant 0 : i32
      scf.yield %scan3A_276 : i32
    }
    %scan3A_6 = arith.constant 2688 : i32
    %broadcast_in_dim3A = arith.constant 1.000000e+00 : f32
    %broadcast_in_dim3A_7 = vector.broadcast %broadcast_in_dim3A : f32 to vector<16xf32>
    %broadcast_in_dim3A_8 = arith.constant 65535 : i32
    %broadcast_in_dim3A_9 = vector.broadcast %broadcast_in_dim3A_8 : i32 to vector<16xi32>
    %mul3A_10 = arith.constant 8 : i32
    %mul3A_11 = arith.muli %add3A, %mul3A_10 : i32
    %dma_start3A = arith.constant 0 : i32
    %dma_start3A_12 = tpu.memref_slice %arg2[%mul3A_11, %dma_start3A] : memref<256x11264xi32, #tpu.memory_space<hbm>> -> memref<1x11264xi32, #tpu.memory_space<hbm>>
    %dma_start3A_13 = tpu.memref_squeeze %dma_start3A_12 : memref<1x11264xi32, #tpu.memory_space<hbm>> -> memref<11264xi32, #tpu.memory_space<hbm>>
    %dma_start3A_14 = arith.constant 0 : i32
    %dma_start3A_15 = tpu.memref_slice %arg2[%mul3A_11, %dma_start3A_14] : memref<256x11264xi32, #tpu.memory_space<hbm>> -> memref<1x11264xi32, #tpu.memory_space<hbm>>
    %dma_start3A_16 = tpu.memref_squeeze %dma_start3A_15 : memref<1x11264xi32, #tpu.memory_space<hbm>> -> memref<11264xi32, #tpu.memory_space<hbm>>
    tpu.enqueue_dma source(%dma_start3A_16 : memref<11264xi32, #tpu.memory_space<hbm>>) target(%arg4 : memref<11264xi32, #tpu.memory_space<vmem>>) target_semaphore(%arg7 : memref<!tpu.dma_semaphore, #tpu.memory_space<semaphore_mem>>)
    %add3A_17 = arith.constant 0 : i32
    %add3A_18 = arith.addi %mul3A_11, %add3A_17 : i32
    %add3A_19 = arith.constant 1 : i32
    %add3A_20 = arith.addi %add3A_18, %add3A_19 : i32
    %dma_start3A_21 = arith.constant 0 : i32
    %dma_start3A_22 = tpu.memref_slice %arg2[%add3A_20, %dma_start3A_21] : memref<256x11264xi32, #tpu.memory_space<hbm>> -> memref<1x11264xi32, #tpu.memory_space<hbm>>
    %dma_start3A_23 = tpu.memref_squeeze %dma_start3A_22 : memref<1x11264xi32, #tpu.memory_space<hbm>> -> memref<11264xi32, #tpu.memory_space<hbm>>
    %dma_start3A_24 = arith.constant 0 : i32
    %dma_start3A_25 = tpu.memref_slice %arg2[%add3A_20, %dma_start3A_24] : memref<256x11264xi32, #tpu.memory_space<hbm>> -> memref<1x11264xi32, #tpu.memory_space<hbm>>
    %dma_start3A_26 = tpu.memref_squeeze %dma_start3A_25 : memref<1x11264xi32, #tpu.memory_space<hbm>> -> memref<11264xi32, #tpu.memory_space<hbm>>
    tpu.enqueue_dma source(%dma_start3A_26 : memref<11264xi32, #tpu.memory_space<hbm>>) target(%arg5 : memref<11264xi32, #tpu.memory_space<vmem>>) target_semaphore(%arg8 : memref<!tpu.dma_semaphore, #tpu.memory_space<semaphore_mem>>)
    %add3A_27 = arith.constant 0 : i32
    %add3A_28 = arith.addi %mul3A_11, %add3A_27 : i32
    %dma_wait3A = arith.constant 0 : i32
    %dma_wait3A_29 = tpu.memref_slice %arg2[%add3A_28, %dma_wait3A] : memref<256x11264xi32, #tpu.memory_space<hbm>> -> memref<1x11264xi32, #tpu.memory_space<hbm>>
    %dma_wait3A_30 = tpu.memref_squeeze %dma_wait3A_29 : memref<1x11264xi32, #tpu.memory_space<hbm>> -> memref<11264xi32, #tpu.memory_space<hbm>>
    %dma_wait3A_31 = arith.constant 0 : i32
    %dma_wait3A_32 = tpu.memref_slice %arg2[%add3A_28, %dma_wait3A_31] : memref<256x11264xi32, #tpu.memory_space<hbm>> -> memref<1x11264xi32, #tpu.memory_space<hbm>>
    %dma_wait3A_33 = tpu.memref_squeeze %dma_wait3A_32 : memref<1x11264xi32, #tpu.memory_space<hbm>> -> memref<11264xi32, #tpu.memory_space<hbm>>
    tpu.wait_dma2 semaphore(%arg7 : memref<!tpu.dma_semaphore, #tpu.memory_space<semaphore_mem>>) src(%dma_wait3A_33 : memref<11264xi32, #tpu.memory_space<hbm>>) dst(%arg4 : memref<11264xi32, #tpu.memory_space<vmem>>)
    %scan3A_34 = arith.constant 0 : i32
    %scan3A_35 = arith.constant 0 : i32
    %scan3A_36 = arith.constant 704 : i32
    %scan3A_37 = arith.addi %scan3A_35, %scan3A_36 : i32
    %scan3A_38 = arith.constant 8 : i32
    %scan3A_39 = scf.for %scan3A_206 = %scan3A_35 to %scan3A_37 step %scan3A_38 iter_args(%scan3A_207 = %scan3A_34) -> (i32)  : i32 {
      %mul3A_208 = arith.constant 16 : i32
      %mul3A_209 = arith.muli %scan3A_206, %mul3A_208 : i32
      %get3A = arith.index_cast %mul3A_209 : i32 to index
      %get3A_210 = tpu.vector_load %arg4[%get3A] {strides = array<i32>} : memref<11264xi32, #tpu.memory_space<vmem>>, vector<16xi32>,
      %and3A = arith.andi %get3A_210, %broadcast_in_dim3A_9 : vector<16xi32>
      %shift_right_logical3A = arith.constant 16 : i32
      %shift_right_logical3A_211 = vector.broadcast %shift_right_logical3A : i32 to vector<16xi32>
      %shift_right_logical3A_212 = arith.shrui %get3A_210, %shift_right_logical3A_211 : vector<16xi32>
      tpu.vector_store_idx %arg6[%and3A], %broadcast_in_dim3A_7 {add = true} : memref<43008xf32, #tpu.memory_space<vmem>>[vector<16xi32>], vector<16xf32>,
      tpu.vector_store_idx %arg6[%shift_right_logical3A_212], %broadcast_in_dim3A_7 {add = true} : memref<43008xf32, #tpu.memory_space<vmem>>[vector<16xi32>], vector<16xf32>,
      %scan3A_213 = arith.constant 0 : i32
      %scan3A_214 = arith.constant 1 : i32
      %scan3A_215 = arith.addi %scan3A_206, %scan3A_214 : i32
      %mul3A_216 = arith.constant 16 : i32
      %mul3A_217 = arith.muli %scan3A_215, %mul3A_216 : i32
      %get3A_218 = arith.index_cast %mul3A_217 : i32 to index
      %get3A_219 = tpu.vector_load %arg4[%get3A_218] {strides = array<i32>} : memref<11264xi32, #tpu.memory_space<vmem>>, vector<16xi32>,
      %and3A_220 = arith.andi %get3A_219, %broadcast_in_dim3A_9 : vector<16xi32>
      %shift_right_logical3A_221 = arith.constant 16 : i32
      %shift_right_logical3A_222 = vector.broadcast %shift_right_logical3A_221 : i32 to vector<16xi32>
      %shift_right_logical3A_223 = arith.shrui %get3A_219, %shift_right_logical3A_222 : vector<16xi32>
      tpu.vector_store_idx %arg6[%and3A_220], %broadcast_in_dim3A_7 {add = true} : memref<43008xf32, #tpu.memory_space<vmem>>[vector<16xi32>], vector<16xf32>,
      tpu.vector_store_idx %arg6[%shift_right_logical3A_223], %broadcast_in_dim3A_7 {add = true} : memref<43008xf32, #tpu.memory_space<vmem>>[vector<16xi32>], vector<16xf32>,
      %scan3A_224 = arith.constant 0 : i32
      %scan3A_225 = arith.constant 2 : i32
      %scan3A_226 = arith.addi %scan3A_206, %scan3A_225 : i32
      %mul3A_227 = arith.constant 16 : i32
      %mul3A_228 = arith.muli %scan3A_226, %mul3A_227 : i32
      %get3A_229 = arith.index_cast %mul3A_228 : i32 to index
      %get3A_230 = tpu.vector_load %arg4[%get3A_229] {strides = array<i32>} : memref<11264xi32, #tpu.memory_space<vmem>>, vector<16xi32>,
      %and3A_231 = arith.andi %get3A_230, %broadcast_in_dim3A_9 : vector<16xi32>
      %shift_right_logical3A_232 = arith.constant 16 : i32
      %shift_right_logical3A_233 = vector.broadcast %shift_right_logical3A_232 : i32 to vector<16xi32>
      %shift_right_logical3A_234 = arith.shrui %get3A_230, %shift_right_logical3A_233 : vector<16xi32>
      tpu.vector_store_idx %arg6[%and3A_231], %broadcast_in_dim3A_7 {add = true} : memref<43008xf32, #tpu.memory_space<vmem>>[vector<16xi32>], vector<16xf32>,
      tpu.vector_store_idx %arg6[%shift_right_logical3A_234], %broadcast_in_dim3A_7 {add = true} : memref<43008xf32, #tpu.memory_space<vmem>>[vector<16xi32>], vector<16xf32>,
      %scan3A_235 = arith.constant 0 : i32
      %scan3A_236 = arith.constant 3 : i32
      %scan3A_237 = arith.addi %scan3A_206, %scan3A_236 : i32
      %mul3A_238 = arith.constant 16 : i32
      %mul3A_239 = arith.muli %scan3A_237, %mul3A_238 : i32
      %get3A_240 = arith.index_cast %mul3A_239 : i32 to index
      %get3A_241 = tpu.vector_load %arg4[%get3A_240] {strides = array<i32>} : memref<11264xi32, #tpu.memory_space<vmem>>, vector<16xi32>,
      %and3A_242 = arith.andi %get3A_241, %broadcast_in_dim3A_9 : vector<16xi32>
      %shift_right_logical3A_243 = arith.constant 16 : i32
      %shift_right_logical3A_244 = vector.broadcast %shift_right_logical3A_243 : i32 to vector<16xi32>
      %shift_right_logical3A_245 = arith.shrui %get3A_241, %shift_right_logical3A_244 : vector<16xi32>
      tpu.vector_store_idx %arg6[%and3A_242], %broadcast_in_dim3A_7 {add = true} : memref<43008xf32, #tpu.memory_space<vmem>>[vector<16xi32>], vector<16xf32>,
      tpu.vector_store_idx %arg6[%shift_right_logical3A_245], %broadcast_in_dim3A_7 {add = true} : memref<43008xf32, #tpu.memory_space<vmem>>[vector<16xi32>], vector<16xf32>,
      %scan3A_246 = arith.constant 0 : i32
      %scan3A_247 = arith.constant 4 : i32
      %scan3A_248 = arith.addi %scan3A_206, %scan3A_247 : i32
      %mul3A_249 = arith.constant 16 : i32
      %mul3A_250 = arith.muli %scan3A_248, %mul3A_249 : i32
      %get3A_251 = arith.index_cast %mul3A_250 : i32 to index
      %get3A_252 = tpu.vector_load %arg4[%get3A_251] {strides = array<i32>} : memref<11264xi32, #tpu.memory_space<vmem>>, vector<16xi32>,
      %and3A_253 = arith.andi %get3A_252, %broadcast_in_dim3A_9 : vector<16xi32>
      %shift_right_logical3A_254 = arith.constant 16 : i32
      %shift_right_logical3A_255 = vector.broadcast %shift_right_logical3A_254 : i32 to vector<16xi32>
      %shift_right_logical3A_256 = arith.shrui %get3A_252, %shift_right_logical3A_255 : vector<16xi32>
      tpu.vector_store_idx %arg6[%and3A_253], %broadcast_in_dim3A_7 {add = true} : memref<43008xf32, #tpu.memory_space<vmem>>[vector<16xi32>], vector<16xf32>,
      tpu.vector_store_idx %arg6[%shift_right_logical3A_256], %broadcast_in_dim3A_7 {add = true} : memref<43008xf32, #tpu.memory_space<vmem>>[vector<16xi32>], vector<16xf32>,
      %scan3A_257 = arith.constant 0 : i32
      %scan3A_258 = arith.constant 5 : i32
      %scan3A_259 = arith.addi %scan3A_206, %scan3A_258 : i32
      %mul3A_260 = arith.constant 16 : i32
      %mul3A_261 = arith.muli %scan3A_259, %mul3A_260 : i32
      %get3A_262 = arith.index_cast %mul3A_261 : i32 to index
      %get3A_263 = tpu.vector_load %arg4[%get3A_262] {strides = array<i32>} : memref<11264xi32, #tpu.memory_space<vmem>>, vector<16xi32>,
      %and3A_264 = arith.andi %get3A_263, %broadcast_in_dim3A_9 : vector<16xi32>
      %shift_right_logical3A_265 = arith.constant 16 : i32
      %shift_right_logical3A_266 = vector.broadcast %shift_right_logical3A_265 : i32 to vector<16xi32>
      %shift_right_logical3A_267 = arith.shrui %get3A_263, %shift_right_logical3A_266 : vector<16xi32>
      tpu.vector_store_idx %arg6[%and3A_264], %broadcast_in_dim3A_7 {add = true} : memref<43008xf32, #tpu.memory_space<vmem>>[vector<16xi32>], vector<16xf32>,
      tpu.vector_store_idx %arg6[%shift_right_logical3A_267], %broadcast_in_dim3A_7 {add = true} : memref<43008xf32, #tpu.memory_space<vmem>>[vector<16xi32>], vector<16xf32>,
      %scan3A_268 = arith.constant 0 : i32
      %scan3A_269 = arith.constant 6 : i32
      %scan3A_270 = arith.addi %scan3A_206, %scan3A_269 : i32
      %mul3A_271 = arith.constant 16 : i32
      %mul3A_272 = arith.muli %scan3A_270, %mul3A_271 : i32
      %get3A_273 = arith.index_cast %mul3A_272 : i32 to index
      %get3A_274 = tpu.vector_load %arg4[%get3A_273] {strides = array<i32>} : memref<11264xi32, #tpu.memory_space<vmem>>, vector<16xi32>,
      %and3A_275 = arith.andi %get3A_274, %broadcast_in_dim3A_9 : vector<16xi32>
      %shift_right_logical3A_276 = arith.constant 16 : i32
      %shift_right_logical3A_277 = vector.broadcast %shift_right_logical3A_276 : i32 to vector<16xi32>
      %shift_right_logical3A_278 = arith.shrui %get3A_274, %shift_right_logical3A_277 : vector<16xi32>
      tpu.vector_store_idx %arg6[%and3A_275], %broadcast_in_dim3A_7 {add = true} : memref<43008xf32, #tpu.memory_space<vmem>>[vector<16xi32>], vector<16xf32>,
      tpu.vector_store_idx %arg6[%shift_right_logical3A_278], %broadcast_in_dim3A_7 {add = true} : memref<43008xf32, #tpu.memory_space<vmem>>[vector<16xi32>], vector<16xf32>,
      %scan3A_279 = arith.constant 0 : i32
      %scan3A_280 = arith.constant 7 : i32
      %scan3A_281 = arith.addi %scan3A_206, %scan3A_280 : i32
      %mul3A_282 = arith.constant 16 : i32
      %mul3A_283 = arith.muli %scan3A_281, %mul3A_282 : i32
      %get3A_284 = arith.index_cast %mul3A_283 : i32 to index
      %get3A_285 = tpu.vector_load %arg4[%get3A_284] {strides = array<i32>} : memref<11264xi32, #tpu.memory_space<vmem>>, vector<16xi32>,
      %and3A_286 = arith.andi %get3A_285, %broadcast_in_dim3A_9 : vector<16xi32>
      %shift_right_logical3A_287 = arith.constant 16 : i32
      %shift_right_logical3A_288 = vector.broadcast %shift_right_logical3A_287 : i32 to vector<16xi32>
      %shift_right_logical3A_289 = arith.shrui %get3A_285, %shift_right_logical3A_288 : vector<16xi32>
      tpu.vector_store_idx %arg6[%and3A_286], %broadcast_in_dim3A_7 {add = true} : memref<43008xf32, #tpu.memory_space<vmem>>[vector<16xi32>], vector<16xf32>,
      tpu.vector_store_idx %arg6[%shift_right_logical3A_289], %broadcast_in_dim3A_7 {add = true} : memref<43008xf32, #tpu.memory_space<vmem>>[vector<16xi32>], vector<16xf32>,
      %scan3A_290 = arith.constant 0 : i32
      scf.yield %scan3A_290 : i32
    }
    %scan3A_40 = arith.constant 704 : i32
    %add3A_41 = arith.constant 1 : i32
    %add3A_42 = arith.addi %mul3A_11, %add3A_41 : i32
    %add3A_43 = arith.constant 1 : i32
    %add3A_44 = arith.addi %add3A_42, %add3A_43 : i32
    %dma_start3A_45 = arith.constant 0 : i32
    %dma_start3A_46 = tpu.memref_slice %arg2[%add3A_44, %dma_start3A_45] : memref<256x11264xi32, #tpu.memory_space<hbm>> -> memref<1x11264xi32, #tpu.memory_space<hbm>>
    %dma_start3A_47 = tpu.memref_squeeze %dma_start3A_46 : memref<1x11264xi32, #tpu.memory_space<hbm>> -> memref<11264xi32, #tpu.memory_space<hbm>>
    %dma_start3A_48 = arith.constant 0 : i32
    %dma_start3A_49 = tpu.memref_slice %arg2[%add3A_44, %dma_start3A_48] : memref<256x11264xi32, #tpu.memory_space<hbm>> -> memref<1x11264xi32, #tpu.memory_space<hbm>>
    %dma_start3A_50 = tpu.memref_squeeze %dma_start3A_49 : memref<1x11264xi32, #tpu.memory_space<hbm>> -> memref<11264xi32, #tpu.memory_space<hbm>>
    tpu.enqueue_dma source(%dma_start3A_50 : memref<11264xi32, #tpu.memory_space<hbm>>) target(%arg4 : memref<11264xi32, #tpu.memory_space<vmem>>) target_semaphore(%arg7 : memref<!tpu.dma_semaphore, #tpu.memory_space<semaphore_mem>>)
    %add3A_51 = arith.constant 1 : i32
    %add3A_52 = arith.addi %mul3A_11, %add3A_51 : i32
    %dma_wait3A_53 = arith.constant 0 : i32
    %dma_wait3A_54 = tpu.memref_slice %arg2[%add3A_52, %dma_wait3A_53] : memref<256x11264xi32, #tpu.memory_space<hbm>> -> memref<1x11264xi32, #tpu.memory_space<hbm>>
    %dma_wait3A_55 = tpu.memref_squeeze %dma_wait3A_54 : memref<1x11264xi32, #tpu.memory_space<hbm>> -> memref<11264xi32, #tpu.memory_space<hbm>>
    %dma_wait3A_56 = arith.constant 0 : i32
    %dma_wait3A_57 = tpu.memref_slice %arg2[%add3A_52, %dma_wait3A_56] : memref<256x11264xi32, #tpu.memory_space<hbm>> -> memref<1x11264xi32, #tpu.memory_space<hbm>>
    %dma_wait3A_58 = tpu.memref_squeeze %dma_wait3A_57 : memref<1x11264xi32, #tpu.memory_space<hbm>> -> memref<11264xi32, #tpu.memory_space<hbm>>
    tpu.wait_dma2 semaphore(%arg8 : memref<!tpu.dma_semaphore, #tpu.memory_space<semaphore_mem>>) src(%dma_wait3A_58 : memref<11264xi32, #tpu.memory_space<hbm>>) dst(%arg5 : memref<11264xi32, #tpu.memory_space<vmem>>)
    %scan3A_59 = arith.constant 0 : i32
    %scan3A_60 = arith.constant 0 : i32
    %scan3A_61 = arith.constant 704 : i32
    %scan3A_62 = arith.addi %scan3A_60, %scan3A_61 : i32
    %scan3A_63 = arith.constant 8 : i32
    %scan3A_64 = scf.for %scan3A_206 = %scan3A_60 to %scan3A_62 step %scan3A_63 iter_args(%scan3A_207 = %scan3A_59) -> (i32)  : i32 {
      %mul3A_208 = arith.constant 16 : i32
      %mul3A_209 = arith.muli %scan3A_206, %mul3A_208 : i32
      %get3A = arith.index_cast %mul3A_209 : i32 to index
      %get3A_210 = tpu.vector_load %arg5[%get3A] {strides = array<i32>} : memref<11264xi32, #tpu.memory_space<vmem>>, vector<16xi32>,
      %and3A = arith.andi %get3A_210, %broadcast_in_dim3A_9 : vector<16xi32>
      %shift_right_logical3A = arith.constant 16 : i32
      %shift_right_logical3A_211 = vector.broadcast %shift_right_logical3A : i32 to vector<16xi32>
      %shift_right_logical3A_212 = arith.shrui %get3A_210, %shift_right_logical3A_211 : vector<16xi32>
      tpu.vector_store_idx %arg6[%and3A], %broadcast_in_dim3A_7 {add = true} : memref<43008xf32, #tpu.memory_space<vmem>>[vector<16xi32>], vector<16xf32>,
      tpu.vector_store_idx %arg6[%shift_right_logical3A_212], %broadcast_in_dim3A_7 {add = true} : memref<43008xf32, #tpu.memory_space<vmem>>[vector<16xi32>], vector<16xf32>,
      %scan3A_213 = arith.constant 0 : i32
      %scan3A_214 = arith.constant 1 : i32
      %scan3A_215 = arith.addi %scan3A_206, %scan3A_214 : i32
      %mul3A_216 = arith.constant 16 : i32
      %mul3A_217 = arith.muli %scan3A_215, %mul3A_216 : i32
      %get3A_218 = arith.index_cast %mul3A_217 : i32 to index
      %get3A_219 = tpu.vector_load %arg5[%get3A_218] {strides = array<i32>} : memref<11264xi32, #tpu.memory_space<vmem>>, vector<16xi32>,
      %and3A_220 = arith.andi %get3A_219, %broadcast_in_dim3A_9 : vector<16xi32>
      %shift_right_logical3A_221 = arith.constant 16 : i32
      %shift_right_logical3A_222 = vector.broadcast %shift_right_logical3A_221 : i32 to vector<16xi32>
      %shift_right_logical3A_223 = arith.shrui %get3A_219, %shift_right_logical3A_222 : vector<16xi32>
      tpu.vector_store_idx %arg6[%and3A_220], %broadcast_in_dim3A_7 {add = true} : memref<43008xf32, #tpu.memory_space<vmem>>[vector<16xi32>], vector<16xf32>,
      tpu.vector_store_idx %arg6[%shift_right_logical3A_223], %broadcast_in_dim3A_7 {add = true} : memref<43008xf32, #tpu.memory_space<vmem>>[vector<16xi32>], vector<16xf32>,
      %scan3A_224 = arith.constant 0 : i32
      %scan3A_225 = arith.constant 2 : i32
      %scan3A_226 = arith.addi %scan3A_206, %scan3A_225 : i32
      %mul3A_227 = arith.constant 16 : i32
      %mul3A_228 = arith.muli %scan3A_226, %mul3A_227 : i32
      %get3A_229 = arith.index_cast %mul3A_228 : i32 to index
      %get3A_230 = tpu.vector_load %arg5[%get3A_229] {strides = array<i32>} : memref<11264xi32, #tpu.memory_space<vmem>>, vector<16xi32>,
      %and3A_231 = arith.andi %get3A_230, %broadcast_in_dim3A_9 : vector<16xi32>
      %shift_right_logical3A_232 = arith.constant 16 : i32
      %shift_right_logical3A_233 = vector.broadcast %shift_right_logical3A_232 : i32 to vector<16xi32>
      %shift_right_logical3A_234 = arith.shrui %get3A_230, %shift_right_logical3A_233 : vector<16xi32>
      tpu.vector_store_idx %arg6[%and3A_231], %broadcast_in_dim3A_7 {add = true} : memref<43008xf32, #tpu.memory_space<vmem>>[vector<16xi32>], vector<16xf32>,
      tpu.vector_store_idx %arg6[%shift_right_logical3A_234], %broadcast_in_dim3A_7 {add = true} : memref<43008xf32, #tpu.memory_space<vmem>>[vector<16xi32>], vector<16xf32>,
      %scan3A_235 = arith.constant 0 : i32
      %scan3A_236 = arith.constant 3 : i32
      %scan3A_237 = arith.addi %scan3A_206, %scan3A_236 : i32
      %mul3A_238 = arith.constant 16 : i32
      %mul3A_239 = arith.muli %scan3A_237, %mul3A_238 : i32
      %get3A_240 = arith.index_cast %mul3A_239 : i32 to index
      %get3A_241 = tpu.vector_load %arg5[%get3A_240] {strides = array<i32>} : memref<11264xi32, #tpu.memory_space<vmem>>, vector<16xi32>,
      %and3A_242 = arith.andi %get3A_241, %broadcast_in_dim3A_9 : vector<16xi32>
      %shift_right_logical3A_243 = arith.constant 16 : i32
      %shift_right_logical3A_244 = vector.broadcast %shift_right_logical3A_243 : i32 to vector<16xi32>
      %shift_right_logical3A_245 = arith.shrui %get3A_241, %shift_right_logical3A_244 : vector<16xi32>
      tpu.vector_store_idx %arg6[%and3A_242], %broadcast_in_dim3A_7 {add = true} : memref<43008xf32, #tpu.memory_space<vmem>>[vector<16xi32>], vector<16xf32>,
      tpu.vector_store_idx %arg6[%shift_right_logical3A_245], %broadcast_in_dim3A_7 {add = true} : memref<43008xf32, #tpu.memory_space<vmem>>[vector<16xi32>], vector<16xf32>,
      %scan3A_246 = arith.constant 0 : i32
      %scan3A_247 = arith.constant 4 : i32
      %scan3A_248 = arith.addi %scan3A_206, %scan3A_247 : i32
      %mul3A_249 = arith.constant 16 : i32
      %mul3A_250 = arith.muli %scan3A_248, %mul3A_249 : i32
      %get3A_251 = arith.index_cast %mul3A_250 : i32 to index
      %get3A_252 = tpu.vector_load %arg5[%get3A_251] {strides = array<i32>} : memref<11264xi32, #tpu.memory_space<vmem>>, vector<16xi32>,
      %and3A_253 = arith.andi %get3A_252, %broadcast_in_dim3A_9 : vector<16xi32>
      %shift_right_logical3A_254 = arith.constant 16 : i32
      %shift_right_logical3A_255 = vector.broadcast %shift_right_logical3A_254 : i32 to vector<16xi32>
      %shift_right_logical3A_256 = arith.shrui %get3A_252, %shift_right_logical3A_255 : vector<16xi32>
      tpu.vector_store_idx %arg6[%and3A_253], %broadcast_in_dim3A_7 {add = true} : memref<43008xf32, #tpu.memory_space<vmem>>[vector<16xi32>], vector<16xf32>,
      tpu.vector_store_idx %arg6[%shift_right_logical3A_256], %broadcast_in_dim3A_7 {add = true} : memref<43008xf32, #tpu.memory_space<vmem>>[vector<16xi32>], vector<16xf32>,
      %scan3A_257 = arith.constant 0 : i32
      %scan3A_258 = arith.constant 5 : i32
      %scan3A_259 = arith.addi %scan3A_206, %scan3A_258 : i32
      %mul3A_260 = arith.constant 16 : i32
      %mul3A_261 = arith.muli %scan3A_259, %mul3A_260 : i32
      %get3A_262 = arith.index_cast %mul3A_261 : i32 to index
      %get3A_263 = tpu.vector_load %arg5[%get3A_262] {strides = array<i32>} : memref<11264xi32, #tpu.memory_space<vmem>>, vector<16xi32>,
      %and3A_264 = arith.andi %get3A_263, %broadcast_in_dim3A_9 : vector<16xi32>
      %shift_right_logical3A_265 = arith.constant 16 : i32
      %shift_right_logical3A_266 = vector.broadcast %shift_right_logical3A_265 : i32 to vector<16xi32>
      %shift_right_logical3A_267 = arith.shrui %get3A_263, %shift_right_logical3A_266 : vector<16xi32>
      tpu.vector_store_idx %arg6[%and3A_264], %broadcast_in_dim3A_7 {add = true} : memref<43008xf32, #tpu.memory_space<vmem>>[vector<16xi32>], vector<16xf32>,
      tpu.vector_store_idx %arg6[%shift_right_logical3A_267], %broadcast_in_dim3A_7 {add = true} : memref<43008xf32, #tpu.memory_space<vmem>>[vector<16xi32>], vector<16xf32>,
      %scan3A_268 = arith.constant 0 : i32
      %scan3A_269 = arith.constant 6 : i32
      %scan3A_270 = arith.addi %scan3A_206, %scan3A_269 : i32
      %mul3A_271 = arith.constant 16 : i32
      %mul3A_272 = arith.muli %scan3A_270, %mul3A_271 : i32
      %get3A_273 = arith.index_cast %mul3A_272 : i32 to index
      %get3A_274 = tpu.vector_load %arg5[%get3A_273] {strides = array<i32>} : memref<11264xi32, #tpu.memory_space<vmem>>, vector<16xi32>,
      %and3A_275 = arith.andi %get3A_274, %broadcast_in_dim3A_9 : vector<16xi32>
      %shift_right_logical3A_276 = arith.constant 16 : i32
      %shift_right_logical3A_277 = vector.broadcast %shift_right_logical3A_276 : i32 to vector<16xi32>
      %shift_right_logical3A_278 = arith.shrui %get3A_274, %shift_right_logical3A_277 : vector<16xi32>
      tpu.vector_store_idx %arg6[%and3A_275], %broadcast_in_dim3A_7 {add = true} : memref<43008xf32, #tpu.memory_space<vmem>>[vector<16xi32>], vector<16xf32>,
      tpu.vector_store_idx %arg6[%shift_right_logical3A_278], %broadcast_in_dim3A_7 {add = true} : memref<43008xf32, #tpu.memory_space<vmem>>[vector<16xi32>], vector<16xf32>,
      %scan3A_279 = arith.constant 0 : i32
      %scan3A_280 = arith.constant 7 : i32
      %scan3A_281 = arith.addi %scan3A_206, %scan3A_280 : i32
      %mul3A_282 = arith.constant 16 : i32
      %mul3A_283 = arith.muli %scan3A_281, %mul3A_282 : i32
      %get3A_284 = arith.index_cast %mul3A_283 : i32 to index
      %get3A_285 = tpu.vector_load %arg5[%get3A_284] {strides = array<i32>} : memref<11264xi32, #tpu.memory_space<vmem>>, vector<16xi32>,
      %and3A_286 = arith.andi %get3A_285, %broadcast_in_dim3A_9 : vector<16xi32>
      %shift_right_logical3A_287 = arith.constant 16 : i32
      %shift_right_logical3A_288 = vector.broadcast %shift_right_logical3A_287 : i32 to vector<16xi32>
      %shift_right_logical3A_289 = arith.shrui %get3A_285, %shift_right_logical3A_288 : vector<16xi32>
      tpu.vector_store_idx %arg6[%and3A_286], %broadcast_in_dim3A_7 {add = true} : memref<43008xf32, #tpu.memory_space<vmem>>[vector<16xi32>], vector<16xf32>,
      tpu.vector_store_idx %arg6[%shift_right_logical3A_289], %broadcast_in_dim3A_7 {add = true} : memref<43008xf32, #tpu.memory_space<vmem>>[vector<16xi32>], vector<16xf32>,
      %scan3A_290 = arith.constant 0 : i32
      scf.yield %scan3A_290 : i32
    }
    %scan3A_65 = arith.constant 704 : i32
    %add3A_66 = arith.constant 2 : i32
    %add3A_67 = arith.addi %mul3A_11, %add3A_66 : i32
    %add3A_68 = arith.constant 1 : i32
    %add3A_69 = arith.addi %add3A_67, %add3A_68 : i32
    %dma_start3A_70 = arith.constant 0 : i32
    %dma_start3A_71 = tpu.memref_slice %arg2[%add3A_69, %dma_start3A_70] : memref<256x11264xi32, #tpu.memory_space<hbm>> -> memref<1x11264xi32, #tpu.memory_space<hbm>>
    %dma_start3A_72 = tpu.memref_squeeze %dma_start3A_71 : memref<1x11264xi32, #tpu.memory_space<hbm>> -> memref<11264xi32, #tpu.memory_space<hbm>>
    %dma_start3A_73 = arith.constant 0 : i32
    %dma_start3A_74 = tpu.memref_slice %arg2[%add3A_69, %dma_start3A_73] : memref<256x11264xi32, #tpu.memory_space<hbm>> -> memref<1x11264xi32, #tpu.memory_space<hbm>>
    %dma_start3A_75 = tpu.memref_squeeze %dma_start3A_74 : memref<1x11264xi32, #tpu.memory_space<hbm>> -> memref<11264xi32, #tpu.memory_space<hbm>>
    tpu.enqueue_dma source(%dma_start3A_75 : memref<11264xi32, #tpu.memory_space<hbm>>) target(%arg5 : memref<11264xi32, #tpu.memory_space<vmem>>) target_semaphore(%arg8 : memref<!tpu.dma_semaphore, #tpu.memory_space<semaphore_mem>>)
    %add3A_76 = arith.constant 2 : i32
    %add3A_77 = arith.addi %mul3A_11, %add3A_76 : i32
    %dma_wait3A_78 = arith.constant 0 : i32
    %dma_wait3A_79 = tpu.memref_slice %arg2[%add3A_77, %dma_wait3A_78] : memref<256x11264xi32, #tpu.memory_space<hbm>> -> memref<1x11264xi32, #tpu.memory_space<hbm>>
    %dma_wait3A_80 = tpu.memref_squeeze %dma_wait3A_79 : memref<1x11264xi32, #tpu.memory_space<hbm>> -> memref<11264xi32, #tpu.memory_space<hbm>>
    %dma_wait3A_81 = arith.constant 0 : i32
    %dma_wait3A_82 = tpu.memref_slice %arg2[%add3A_77, %dma_wait3A_81] : memref<256x11264xi32, #tpu.memory_space<hbm>> -> memref<1x11264xi32, #tpu.memory_space<hbm>>
    %dma_wait3A_83 = tpu.memref_squeeze %dma_wait3A_82 : memref<1x11264xi32, #tpu.memory_space<hbm>> -> memref<11264xi32, #tpu.memory_space<hbm>>
    tpu.wait_dma2 semaphore(%arg7 : memref<!tpu.dma_semaphore, #tpu.memory_space<semaphore_mem>>) src(%dma_wait3A_83 : memref<11264xi32, #tpu.memory_space<hbm>>) dst(%arg4 : memref<11264xi32, #tpu.memory_space<vmem>>)
    %scan3A_84 = arith.constant 0 : i32
    %scan3A_85 = arith.constant 0 : i32
    %scan3A_86 = arith.constant 704 : i32
    %scan3A_87 = arith.addi %scan3A_85, %scan3A_86 : i32
    %scan3A_88 = arith.constant 8 : i32
    %scan3A_89 = scf.for %scan3A_206 = %scan3A_85 to %scan3A_87 step %scan3A_88 iter_args(%scan3A_207 = %scan3A_84) -> (i32)  : i32 {
      %mul3A_208 = arith.constant 16 : i32
      %mul3A_209 = arith.muli %scan3A_206, %mul3A_208 : i32
      %get3A = arith.index_cast %mul3A_209 : i32 to index
      %get3A_210 = tpu.vector_load %arg4[%get3A] {strides = array<i32>} : memref<11264xi32, #tpu.memory_space<vmem>>, vector<16xi32>,
      %and3A = arith.andi %get3A_210, %broadcast_in_dim3A_9 : vector<16xi32>
      %shift_right_logical3A = arith.constant 16 : i32
      %shift_right_logical3A_211 = vector.broadcast %shift_right_logical3A : i32 to vector<16xi32>
      %shift_right_logical3A_212 = arith.shrui %get3A_210, %shift_right_logical3A_211 : vector<16xi32>
      tpu.vector_store_idx %arg6[%and3A], %broadcast_in_dim3A_7 {add = true} : memref<43008xf32, #tpu.memory_space<vmem>>[vector<16xi32>], vector<16xf32>,
      tpu.vector_store_idx %arg6[%shift_right_logical3A_212], %broadcast_in_dim3A_7 {add = true} : memref<43008xf32, #tpu.memory_space<vmem>>[vector<16xi32>], vector<16xf32>,
      %scan3A_213 = arith.constant 0 : i32
      %scan3A_214 = arith.constant 1 : i32
      %scan3A_215 = arith.addi %scan3A_206, %scan3A_214 : i32
      %mul3A_216 = arith.constant 16 : i32
      %mul3A_217 = arith.muli %scan3A_215, %mul3A_216 : i32
      %get3A_218 = arith.index_cast %mul3A_217 : i32 to index
      %get3A_219 = tpu.vector_load %arg4[%get3A_218] {strides = array<i32>} : memref<11264xi32, #tpu.memory_space<vmem>>, vector<16xi32>,
      %and3A_220 = arith.andi %get3A_219, %broadcast_in_dim3A_9 : vector<16xi32>
      %shift_right_logical3A_221 = arith.constant 16 : i32
      %shift_right_logical3A_222 = vector.broadcast %shift_right_logical3A_221 : i32 to vector<16xi32>
      %shift_right_logical3A_223 = arith.shrui %get3A_219, %shift_right_logical3A_222 : vector<16xi32>
      tpu.vector_store_idx %arg6[%and3A_220], %broadcast_in_dim3A_7 {add = true} : memref<43008xf32, #tpu.memory_space<vmem>>[vector<16xi32>], vector<16xf32>,
      tpu.vector_store_idx %arg6[%shift_right_logical3A_223], %broadcast_in_dim3A_7 {add = true} : memref<43008xf32, #tpu.memory_space<vmem>>[vector<16xi32>], vector<16xf32>,
      %scan3A_224 = arith.constant 0 : i32
      %scan3A_225 = arith.constant 2 : i32
      %scan3A_226 = arith.addi %scan3A_206, %scan3A_225 : i32
      %mul3A_227 = arith.constant 16 : i32
      %mul3A_228 = arith.muli %scan3A_226, %mul3A_227 : i32
      %get3A_229 = arith.index_cast %mul3A_228 : i32 to index
      %get3A_230 = tpu.vector_load %arg4[%get3A_229] {strides = array<i32>} : memref<11264xi32, #tpu.memory_space<vmem>>, vector<16xi32>,
      %and3A_231 = arith.andi %get3A_230, %broadcast_in_dim3A_9 : vector<16xi32>
      %shift_right_logical3A_232 = arith.constant 16 : i32
      %shift_right_logical3A_233 = vector.broadcast %shift_right_logical3A_232 : i32 to vector<16xi32>
      %shift_right_logical3A_234 = arith.shrui %get3A_230, %shift_right_logical3A_233 : vector<16xi32>
      tpu.vector_store_idx %arg6[%and3A_231], %broadcast_in_dim3A_7 {add = true} : memref<43008xf32, #tpu.memory_space<vmem>>[vector<16xi32>], vector<16xf32>,
      tpu.vector_store_idx %arg6[%shift_right_logical3A_234], %broadcast_in_dim3A_7 {add = true} : memref<43008xf32, #tpu.memory_space<vmem>>[vector<16xi32>], vector<16xf32>,
      %scan3A_235 = arith.constant 0 : i32
      %scan3A_236 = arith.constant 3 : i32
      %scan3A_237 = arith.addi %scan3A_206, %scan3A_236 : i32
      %mul3A_238 = arith.constant 16 : i32
      %mul3A_239 = arith.muli %scan3A_237, %mul3A_238 : i32
      %get3A_240 = arith.index_cast %mul3A_239 : i32 to index
      %get3A_241 = tpu.vector_load %arg4[%get3A_240] {strides = array<i32>} : memref<11264xi32, #tpu.memory_space<vmem>>, vector<16xi32>,
      %and3A_242 = arith.andi %get3A_241, %broadcast_in_dim3A_9 : vector<16xi32>
      %shift_right_logical3A_243 = arith.constant 16 : i32
      %shift_right_logical3A_244 = vector.broadcast %shift_right_logical3A_243 : i32 to vector<16xi32>
      %shift_right_logical3A_245 = arith.shrui %get3A_241, %shift_right_logical3A_244 : vector<16xi32>
      tpu.vector_store_idx %arg6[%and3A_242], %broadcast_in_dim3A_7 {add = true} : memref<43008xf32, #tpu.memory_space<vmem>>[vector<16xi32>], vector<16xf32>,
      tpu.vector_store_idx %arg6[%shift_right_logical3A_245], %broadcast_in_dim3A_7 {add = true} : memref<43008xf32, #tpu.memory_space<vmem>>[vector<16xi32>], vector<16xf32>,
      %scan3A_246 = arith.constant 0 : i32
      %scan3A_247 = arith.constant 4 : i32
      %scan3A_248 = arith.addi %scan3A_206, %scan3A_247 : i32
      %mul3A_249 = arith.constant 16 : i32
      %mul3A_250 = arith.muli %scan3A_248, %mul3A_249 : i32
      %get3A_251 = arith.index_cast %mul3A_250 : i32 to index
      %get3A_252 = tpu.vector_load %arg4[%get3A_251] {strides = array<i32>} : memref<11264xi32, #tpu.memory_space<vmem>>, vector<16xi32>,
      %and3A_253 = arith.andi %get3A_252, %broadcast_in_dim3A_9 : vector<16xi32>
      %shift_right_logical3A_254 = arith.constant 16 : i32
      %shift_right_logical3A_255 = vector.broadcast %shift_right_logical3A_254 : i32 to vector<16xi32>
      %shift_right_logical3A_256 = arith.shrui %get3A_252, %shift_right_logical3A_255 : vector<16xi32>
      tpu.vector_store_idx %arg6[%and3A_253], %broadcast_in_dim3A_7 {add = true} : memref<43008xf32, #tpu.memory_space<vmem>>[vector<16xi32>], vector<16xf32>,
      tpu.vector_store_idx %arg6[%shift_right_logical3A_256], %broadcast_in_dim3A_7 {add = true} : memref<43008xf32, #tpu.memory_space<vmem>>[vector<16xi32>], vector<16xf32>,
      %scan3A_257 = arith.constant 0 : i32
      %scan3A_258 = arith.constant 5 : i32
      %scan3A_259 = arith.addi %scan3A_206, %scan3A_258 : i32
      %mul3A_260 = arith.constant 16 : i32
      %mul3A_261 = arith.muli %scan3A_259, %mul3A_260 : i32
      %get3A_262 = arith.index_cast %mul3A_261 : i32 to index
      %get3A_263 = tpu.vector_load %arg4[%get3A_262] {strides = array<i32>} : memref<11264xi32, #tpu.memory_space<vmem>>, vector<16xi32>,
      %and3A_264 = arith.andi %get3A_263, %broadcast_in_dim3A_9 : vector<16xi32>
      %shift_right_logical3A_265 = arith.constant 16 : i32
      %shift_right_logical3A_266 = vector.broadcast %shift_right_logical3A_265 : i32 to vector<16xi32>
      %shift_right_logical3A_267 = arith.shrui %get3A_263, %shift_right_logical3A_266 : vector<16xi32>
      tpu.vector_store_idx %arg6[%and3A_264], %broadcast_in_dim3A_7 {add = true} : memref<43008xf32, #tpu.memory_space<vmem>>[vector<16xi32>], vector<16xf32>,
      tpu.vector_store_idx %arg6[%shift_right_logical3A_267], %broadcast_in_dim3A_7 {add = true} : memref<43008xf32, #tpu.memory_space<vmem>>[vector<16xi32>], vector<16xf32>,
      %scan3A_268 = arith.constant 0 : i32
      %scan3A_269 = arith.constant 6 : i32
      %scan3A_270 = arith.addi %scan3A_206, %scan3A_269 : i32
      %mul3A_271 = arith.constant 16 : i32
      %mul3A_272 = arith.muli %scan3A_270, %mul3A_271 : i32
      %get3A_273 = arith.index_cast %mul3A_272 : i32 to index
      %get3A_274 = tpu.vector_load %arg4[%get3A_273] {strides = array<i32>} : memref<11264xi32, #tpu.memory_space<vmem>>, vector<16xi32>,
      %and3A_275 = arith.andi %get3A_274, %broadcast_in_dim3A_9 : vector<16xi32>
      %shift_right_logical3A_276 = arith.constant 16 : i32
      %shift_right_logical3A_277 = vector.broadcast %shift_right_logical3A_276 : i32 to vector<16xi32>
      %shift_right_logical3A_278 = arith.shrui %get3A_274, %shift_right_logical3A_277 : vector<16xi32>
      tpu.vector_store_idx %arg6[%and3A_275], %broadcast_in_dim3A_7 {add = true} : memref<43008xf32, #tpu.memory_space<vmem>>[vector<16xi32>], vector<16xf32>,
      tpu.vector_store_idx %arg6[%shift_right_logical3A_278], %broadcast_in_dim3A_7 {add = true} : memref<43008xf32, #tpu.memory_space<vmem>>[vector<16xi32>], vector<16xf32>,
      %scan3A_279 = arith.constant 0 : i32
      %scan3A_280 = arith.constant 7 : i32
      %scan3A_281 = arith.addi %scan3A_206, %scan3A_280 : i32
      %mul3A_282 = arith.constant 16 : i32
      %mul3A_283 = arith.muli %scan3A_281, %mul3A_282 : i32
      %get3A_284 = arith.index_cast %mul3A_283 : i32 to index
      %get3A_285 = tpu.vector_load %arg4[%get3A_284] {strides = array<i32>} : memref<11264xi32, #tpu.memory_space<vmem>>, vector<16xi32>,
      %and3A_286 = arith.andi %get3A_285, %broadcast_in_dim3A_9 : vector<16xi32>
      %shift_right_logical3A_287 = arith.constant 16 : i32
      %shift_right_logical3A_288 = vector.broadcast %shift_right_logical3A_287 : i32 to vector<16xi32>
      %shift_right_logical3A_289 = arith.shrui %get3A_285, %shift_right_logical3A_288 : vector<16xi32>
      tpu.vector_store_idx %arg6[%and3A_286], %broadcast_in_dim3A_7 {add = true} : memref<43008xf32, #tpu.memory_space<vmem>>[vector<16xi32>], vector<16xf32>,
      tpu.vector_store_idx %arg6[%shift_right_logical3A_289], %broadcast_in_dim3A_7 {add = true} : memref<43008xf32, #tpu.memory_space<vmem>>[vector<16xi32>], vector<16xf32>,
      %scan3A_290 = arith.constant 0 : i32
      scf.yield %scan3A_290 : i32
    }
    %scan3A_90 = arith.constant 704 : i32
    %add3A_91 = arith.constant 3 : i32
    %add3A_92 = arith.addi %mul3A_11, %add3A_91 : i32
    %add3A_93 = arith.constant 1 : i32
    %add3A_94 = arith.addi %add3A_92, %add3A_93 : i32
    %dma_start3A_95 = arith.constant 0 : i32
    %dma_start3A_96 = tpu.memref_slice %arg2[%add3A_94, %dma_start3A_95] : memref<256x11264xi32, #tpu.memory_space<hbm>> -> memref<1x11264xi32, #tpu.memory_space<hbm>>
    %dma_start3A_97 = tpu.memref_squeeze %dma_start3A_96 : memref<1x11264xi32, #tpu.memory_space<hbm>> -> memref<11264xi32, #tpu.memory_space<hbm>>
    %dma_start3A_98 = arith.constant 0 : i32
    %dma_start3A_99 = tpu.memref_slice %arg2[%add3A_94, %dma_start3A_98] : memref<256x11264xi32, #tpu.memory_space<hbm>> -> memref<1x11264xi32, #tpu.memory_space<hbm>>
    %dma_start3A_100 = tpu.memref_squeeze %dma_start3A_99 : memref<1x11264xi32, #tpu.memory_space<hbm>> -> memref<11264xi32, #tpu.memory_space<hbm>>
    tpu.enqueue_dma source(%dma_start3A_100 : memref<11264xi32, #tpu.memory_space<hbm>>) target(%arg4 : memref<11264xi32, #tpu.memory_space<vmem>>) target_semaphore(%arg7 : memref<!tpu.dma_semaphore, #tpu.memory_space<semaphore_mem>>)
    %add3A_101 = arith.constant 3 : i32
    %add3A_102 = arith.addi %mul3A_11, %add3A_101 : i32
    %dma_wait3A_103 = arith.constant 0 : i32
    %dma_wait3A_104 = tpu.memref_slice %arg2[%add3A_102, %dma_wait3A_103] : memref<256x11264xi32, #tpu.memory_space<hbm>> -> memref<1x11264xi32, #tpu.memory_space<hbm>>
    %dma_wait3A_105 = tpu.memref_squeeze %dma_wait3A_104 : memref<1x11264xi32, #tpu.memory_space<hbm>> -> memref<11264xi32, #tpu.memory_space<hbm>>
    %dma_wait3A_106 = arith.constant 0 : i32
    %dma_wait3A_107 = tpu.memref_slice %arg2[%add3A_102, %dma_wait3A_106] : memref<256x11264xi32, #tpu.memory_space<hbm>> -> memref<1x11264xi32, #tpu.memory_space<hbm>>
    %dma_wait3A_108 = tpu.memref_squeeze %dma_wait3A_107 : memref<1x11264xi32, #tpu.memory_space<hbm>> -> memref<11264xi32, #tpu.memory_space<hbm>>
    tpu.wait_dma2 semaphore(%arg8 : memref<!tpu.dma_semaphore, #tpu.memory_space<semaphore_mem>>) src(%dma_wait3A_108 : memref<11264xi32, #tpu.memory_space<hbm>>) dst(%arg5 : memref<11264xi32, #tpu.memory_space<vmem>>)
    %scan3A_109 = arith.constant 0 : i32
    %scan3A_110 = arith.constant 0 : i32
    %scan3A_111 = arith.constant 704 : i32
    %scan3A_112 = arith.addi %scan3A_110, %scan3A_111 : i32
    %scan3A_113 = arith.constant 8 : i32
    %scan3A_114 = scf.for %scan3A_206 = %scan3A_110 to %scan3A_112 step %scan3A_113 iter_args(%scan3A_207 = %scan3A_109) -> (i32)  : i32 {
      %mul3A_208 = arith.constant 16 : i32
      %mul3A_209 = arith.muli %scan3A_206, %mul3A_208 : i32
      %get3A = arith.index_cast %mul3A_209 : i32 to index
      %get3A_210 = tpu.vector_load %arg5[%get3A] {strides = array<i32>} : memref<11264xi32, #tpu.memory_space<vmem>>, vector<16xi32>,
      %and3A = arith.andi %get3A_210, %broadcast_in_dim3A_9 : vector<16xi32>
      %shift_right_logical3A = arith.constant 16 : i32
      %shift_right_logical3A_211 = vector.broadcast %shift_right_logical3A : i32 to vector<16xi32>
      %shift_right_logical3A_212 = arith.shrui %get3A_210, %shift_right_logical3A_211 : vector<16xi32>
      tpu.vector_store_idx %arg6[%and3A], %broadcast_in_dim3A_7 {add = true} : memref<43008xf32, #tpu.memory_space<vmem>>[vector<16xi32>], vector<16xf32>,
      tpu.vector_store_idx %arg6[%shift_right_logical3A_212], %broadcast_in_dim3A_7 {add = true} : memref<43008xf32, #tpu.memory_space<vmem>>[vector<16xi32>], vector<16xf32>,
      %scan3A_213 = arith.constant 0 : i32
      %scan3A_214 = arith.constant 1 : i32
      %scan3A_215 = arith.addi %scan3A_206, %scan3A_214 : i32
      %mul3A_216 = arith.constant 16 : i32
      %mul3A_217 = arith.muli %scan3A_215, %mul3A_216 : i32
      %get3A_218 = arith.index_cast %mul3A_217 : i32 to index
      %get3A_219 = tpu.vector_load %arg5[%get3A_218] {strides = array<i32>} : memref<11264xi32, #tpu.memory_space<vmem>>, vector<16xi32>,
      %and3A_220 = arith.andi %get3A_219, %broadcast_in_dim3A_9 : vector<16xi32>
      %shift_right_logical3A_221 = arith.constant 16 : i32
      %shift_right_logical3A_222 = vector.broadcast %shift_right_logical3A_221 : i32 to vector<16xi32>
      %shift_right_logical3A_223 = arith.shrui %get3A_219, %shift_right_logical3A_222 : vector<16xi32>
      tpu.vector_store_idx %arg6[%and3A_220], %broadcast_in_dim3A_7 {add = true} : memref<43008xf32, #tpu.memory_space<vmem>>[vector<16xi32>], vector<16xf32>,
      tpu.vector_store_idx %arg6[%shift_right_logical3A_223], %broadcast_in_dim3A_7 {add = true} : memref<43008xf32, #tpu.memory_space<vmem>>[vector<16xi32>], vector<16xf32>,
      %scan3A_224 = arith.constant 0 : i32
      %scan3A_225 = arith.constant 2 : i32
      %scan3A_226 = arith.addi %scan3A_206, %scan3A_225 : i32
      %mul3A_227 = arith.constant 16 : i32
      %mul3A_228 = arith.muli %scan3A_226, %mul3A_227 : i32
      %get3A_229 = arith.index_cast %mul3A_228 : i32 to index
      %get3A_230 = tpu.vector_load %arg5[%get3A_229] {strides = array<i32>} : memref<11264xi32, #tpu.memory_space<vmem>>, vector<16xi32>,
      %and3A_231 = arith.andi %get3A_230, %broadcast_in_dim3A_9 : vector<16xi32>
      %shift_right_logical3A_232 = arith.constant 16 : i32
      %shift_right_logical3A_233 = vector.broadcast %shift_right_logical3A_232 : i32 to vector<16xi32>
      %shift_right_logical3A_234 = arith.shrui %get3A_230, %shift_right_logical3A_233 : vector<16xi32>
      tpu.vector_store_idx %arg6[%and3A_231], %broadcast_in_dim3A_7 {add = true} : memref<43008xf32, #tpu.memory_space<vmem>>[vector<16xi32>], vector<16xf32>,
      tpu.vector_store_idx %arg6[%shift_right_logical3A_234], %broadcast_in_dim3A_7 {add = true} : memref<43008xf32, #tpu.memory_space<vmem>>[vector<16xi32>], vector<16xf32>,
      %scan3A_235 = arith.constant 0 : i32
      %scan3A_236 = arith.constant 3 : i32
      %scan3A_237 = arith.addi %scan3A_206, %scan3A_236 : i32
      %mul3A_238 = arith.constant 16 : i32
      %mul3A_239 = arith.muli %scan3A_237, %mul3A_238 : i32
      %get3A_240 = arith.index_cast %mul3A_239 : i32 to index
      %get3A_241 = tpu.vector_load %arg5[%get3A_240] {strides = array<i32>} : memref<11264xi32, #tpu.memory_space<vmem>>, vector<16xi32>,
      %and3A_242 = arith.andi %get3A_241, %broadcast_in_dim3A_9 : vector<16xi32>
      %shift_right_logical3A_243 = arith.constant 16 : i32
      %shift_right_logical3A_244 = vector.broadcast %shift_right_logical3A_243 : i32 to vector<16xi32>
      %shift_right_logical3A_245 = arith.shrui %get3A_241, %shift_right_logical3A_244 : vector<16xi32>
      tpu.vector_store_idx %arg6[%and3A_242], %broadcast_in_dim3A_7 {add = true} : memref<43008xf32, #tpu.memory_space<vmem>>[vector<16xi32>], vector<16xf32>,
      tpu.vector_store_idx %arg6[%shift_right_logical3A_245], %broadcast_in_dim3A_7 {add = true} : memref<43008xf32, #tpu.memory_space<vmem>>[vector<16xi32>], vector<16xf32>,
      %scan3A_246 = arith.constant 0 : i32
      %scan3A_247 = arith.constant 4 : i32
      %scan3A_248 = arith.addi %scan3A_206, %scan3A_247 : i32
      %mul3A_249 = arith.constant 16 : i32
      %mul3A_250 = arith.muli %scan3A_248, %mul3A_249 : i32
      %get3A_251 = arith.index_cast %mul3A_250 : i32 to index
      %get3A_252 = tpu.vector_load %arg5[%get3A_251] {strides = array<i32>} : memref<11264xi32, #tpu.memory_space<vmem>>, vector<16xi32>,
      %and3A_253 = arith.andi %get3A_252, %broadcast_in_dim3A_9 : vector<16xi32>
      %shift_right_logical3A_254 = arith.constant 16 : i32
      %shift_right_logical3A_255 = vector.broadcast %shift_right_logical3A_254 : i32 to vector<16xi32>
      %shift_right_logical3A_256 = arith.shrui %get3A_252, %shift_right_logical3A_255 : vector<16xi32>
      tpu.vector_store_idx %arg6[%and3A_253], %broadcast_in_dim3A_7 {add = true} : memref<43008xf32, #tpu.memory_space<vmem>>[vector<16xi32>], vector<16xf32>,
      tpu.vector_store_idx %arg6[%shift_right_logical3A_256], %broadcast_in_dim3A_7 {add = true} : memref<43008xf32, #tpu.memory_space<vmem>>[vector<16xi32>], vector<16xf32>,
      %scan3A_257 = arith.constant 0 : i32
      %scan3A_258 = arith.constant 5 : i32
      %scan3A_259 = arith.addi %scan3A_206, %scan3A_258 : i32
      %mul3A_260 = arith.constant 16 : i32
      %mul3A_261 = arith.muli %scan3A_259, %mul3A_260 : i32
      %get3A_262 = arith.index_cast %mul3A_261 : i32 to index
      %get3A_263 = tpu.vector_load %arg5[%get3A_262] {strides = array<i32>} : memref<11264xi32, #tpu.memory_space<vmem>>, vector<16xi32>,
      %and3A_264 = arith.andi %get3A_263, %broadcast_in_dim3A_9 : vector<16xi32>
      %shift_right_logical3A_265 = arith.constant 16 : i32
      %shift_right_logical3A_266 = vector.broadcast %shift_right_logical3A_265 : i32 to vector<16xi32>
      %shift_right_logical3A_267 = arith.shrui %get3A_263, %shift_right_logical3A_266 : vector<16xi32>
      tpu.vector_store_idx %arg6[%and3A_264], %broadcast_in_dim3A_7 {add = true} : memref<43008xf32, #tpu.memory_space<vmem>>[vector<16xi32>], vector<16xf32>,
      tpu.vector_store_idx %arg6[%shift_right_logical3A_267], %broadcast_in_dim3A_7 {add = true} : memref<43008xf32, #tpu.memory_space<vmem>>[vector<16xi32>], vector<16xf32>,
      %scan3A_268 = arith.constant 0 : i32
      %scan3A_269 = arith.constant 6 : i32
      %scan3A_270 = arith.addi %scan3A_206, %scan3A_269 : i32
      %mul3A_271 = arith.constant 16 : i32
      %mul3A_272 = arith.muli %scan3A_270, %mul3A_271 : i32
      %get3A_273 = arith.index_cast %mul3A_272 : i32 to index
      %get3A_274 = tpu.vector_load %arg5[%get3A_273] {strides = array<i32>} : memref<11264xi32, #tpu.memory_space<vmem>>, vector<16xi32>,
      %and3A_275 = arith.andi %get3A_274, %broadcast_in_dim3A_9 : vector<16xi32>
      %shift_right_logical3A_276 = arith.constant 16 : i32
      %shift_right_logical3A_277 = vector.broadcast %shift_right_logical3A_276 : i32 to vector<16xi32>
      %shift_right_logical3A_278 = arith.shrui %get3A_274, %shift_right_logical3A_277 : vector<16xi32>
      tpu.vector_store_idx %arg6[%and3A_275], %broadcast_in_dim3A_7 {add = true} : memref<43008xf32, #tpu.memory_space<vmem>>[vector<16xi32>], vector<16xf32>,
      tpu.vector_store_idx %arg6[%shift_right_logical3A_278], %broadcast_in_dim3A_7 {add = true} : memref<43008xf32, #tpu.memory_space<vmem>>[vector<16xi32>], vector<16xf32>,
      %scan3A_279 = arith.constant 0 : i32
      %scan3A_280 = arith.constant 7 : i32
      %scan3A_281 = arith.addi %scan3A_206, %scan3A_280 : i32
      %mul3A_282 = arith.constant 16 : i32
      %mul3A_283 = arith.muli %scan3A_281, %mul3A_282 : i32
      %get3A_284 = arith.index_cast %mul3A_283 : i32 to index
      %get3A_285 = tpu.vector_load %arg5[%get3A_284] {strides = array<i32>} : memref<11264xi32, #tpu.memory_space<vmem>>, vector<16xi32>,
      %and3A_286 = arith.andi %get3A_285, %broadcast_in_dim3A_9 : vector<16xi32>
      %shift_right_logical3A_287 = arith.constant 16 : i32
      %shift_right_logical3A_288 = vector.broadcast %shift_right_logical3A_287 : i32 to vector<16xi32>
      %shift_right_logical3A_289 = arith.shrui %get3A_285, %shift_right_logical3A_288 : vector<16xi32>
      tpu.vector_store_idx %arg6[%and3A_286], %broadcast_in_dim3A_7 {add = true} : memref<43008xf32, #tpu.memory_space<vmem>>[vector<16xi32>], vector<16xf32>,
      tpu.vector_store_idx %arg6[%shift_right_logical3A_289], %broadcast_in_dim3A_7 {add = true} : memref<43008xf32, #tpu.memory_space<vmem>>[vector<16xi32>], vector<16xf32>,
      %scan3A_290 = arith.constant 0 : i32
      scf.yield %scan3A_290 : i32
    }
    %scan3A_115 = arith.constant 704 : i32
    %add3A_116 = arith.constant 4 : i32
    %add3A_117 = arith.addi %mul3A_11, %add3A_116 : i32
    %add3A_118 = arith.constant 1 : i32
    %add3A_119 = arith.addi %add3A_117, %add3A_118 : i32
    %dma_start3A_120 = arith.constant 0 : i32
    %dma_start3A_121 = tpu.memref_slice %arg2[%add3A_119, %dma_start3A_120] : memref<256x11264xi32, #tpu.memory_space<hbm>> -> memref<1x11264xi32, #tpu.memory_space<hbm>>
    %dma_start3A_122 = tpu.memref_squeeze %dma_start3A_121 : memref<1x11264xi32, #tpu.memory_space<hbm>> -> memref<11264xi32, #tpu.memory_space<hbm>>
    %dma_start3A_123 = arith.constant 0 : i32
    %dma_start3A_124 = tpu.memref_slice %arg2[%add3A_119, %dma_start3A_123] : memref<256x11264xi32, #tpu.memory_space<hbm>> -> memref<1x11264xi32, #tpu.memory_space<hbm>>
    %dma_start3A_125 = tpu.memref_squeeze %dma_start3A_124 : memref<1x11264xi32, #tpu.memory_space<hbm>> -> memref<11264xi32, #tpu.memory_space<hbm>>
    tpu.enqueue_dma source(%dma_start3A_125 : memref<11264xi32, #tpu.memory_space<hbm>>) target(%arg5 : memref<11264xi32, #tpu.memory_space<vmem>>) target_semaphore(%arg8 : memref<!tpu.dma_semaphore, #tpu.memory_space<semaphore_mem>>)
    %add3A_126 = arith.constant 4 : i32
    %add3A_127 = arith.addi %mul3A_11, %add3A_126 : i32
    %dma_wait3A_128 = arith.constant 0 : i32
    %dma_wait3A_129 = tpu.memref_slice %arg2[%add3A_127, %dma_wait3A_128] : memref<256x11264xi32, #tpu.memory_space<hbm>> -> memref<1x11264xi32, #tpu.memory_space<hbm>>
    %dma_wait3A_130 = tpu.memref_squeeze %dma_wait3A_129 : memref<1x11264xi32, #tpu.memory_space<hbm>> -> memref<11264xi32, #tpu.memory_space<hbm>>
    %dma_wait3A_131 = arith.constant 0 : i32
    %dma_wait3A_132 = tpu.memref_slice %arg2[%add3A_127, %dma_wait3A_131] : memref<256x11264xi32, #tpu.memory_space<hbm>> -> memref<1x11264xi32, #tpu.memory_space<hbm>>
    %dma_wait3A_133 = tpu.memref_squeeze %dma_wait3A_132 : memref<1x11264xi32, #tpu.memory_space<hbm>> -> memref<11264xi32, #tpu.memory_space<hbm>>
    tpu.wait_dma2 semaphore(%arg7 : memref<!tpu.dma_semaphore, #tpu.memory_space<semaphore_mem>>) src(%dma_wait3A_133 : memref<11264xi32, #tpu.memory_space<hbm>>) dst(%arg4 : memref<11264xi32, #tpu.memory_space<vmem>>)
    %scan3A_134 = arith.constant 0 : i32
    %scan3A_135 = arith.constant 0 : i32
    %scan3A_136 = arith.constant 704 : i32
    %scan3A_137 = arith.addi %scan3A_135, %scan3A_136 : i32
    %scan3A_138 = arith.constant 8 : i32
    %scan3A_139 = scf.for %scan3A_206 = %scan3A_135 to %scan3A_137 step %scan3A_138 iter_args(%scan3A_207 = %scan3A_134) -> (i32)  : i32 {
      %mul3A_208 = arith.constant 16 : i32
      %mul3A_209 = arith.muli %scan3A_206, %mul3A_208 : i32
      %get3A = arith.index_cast %mul3A_209 : i32 to index
      %get3A_210 = tpu.vector_load %arg4[%get3A] {strides = array<i32>} : memref<11264xi32, #tpu.memory_space<vmem>>, vector<16xi32>,
      %and3A = arith.andi %get3A_210, %broadcast_in_dim3A_9 : vector<16xi32>
      %shift_right_logical3A = arith.constant 16 : i32
      %shift_right_logical3A_211 = vector.broadcast %shift_right_logical3A : i32 to vector<16xi32>
      %shift_right_logical3A_212 = arith.shrui %get3A_210, %shift_right_logical3A_211 : vector<16xi32>
      tpu.vector_store_idx %arg6[%and3A], %broadcast_in_dim3A_7 {add = true} : memref<43008xf32, #tpu.memory_space<vmem>>[vector<16xi32>], vector<16xf32>,
      tpu.vector_store_idx %arg6[%shift_right_logical3A_212], %broadcast_in_dim3A_7 {add = true} : memref<43008xf32, #tpu.memory_space<vmem>>[vector<16xi32>], vector<16xf32>,
      %scan3A_213 = arith.constant 0 : i32
      %scan3A_214 = arith.constant 1 : i32
      %scan3A_215 = arith.addi %scan3A_206, %scan3A_214 : i32
      %mul3A_216 = arith.constant 16 : i32
      %mul3A_217 = arith.muli %scan3A_215, %mul3A_216 : i32
      %get3A_218 = arith.index_cast %mul3A_217 : i32 to index
      %get3A_219 = tpu.vector_load %arg4[%get3A_218] {strides = array<i32>} : memref<11264xi32, #tpu.memory_space<vmem>>, vector<16xi32>,
      %and3A_220 = arith.andi %get3A_219, %broadcast_in_dim3A_9 : vector<16xi32>
      %shift_right_logical3A_221 = arith.constant 16 : i32
      %shift_right_logical3A_222 = vector.broadcast %shift_right_logical3A_221 : i32 to vector<16xi32>
      %shift_right_logical3A_223 = arith.shrui %get3A_219, %shift_right_logical3A_222 : vector<16xi32>
      tpu.vector_store_idx %arg6[%and3A_220], %broadcast_in_dim3A_7 {add = true} : memref<43008xf32, #tpu.memory_space<vmem>>[vector<16xi32>], vector<16xf32>,
      tpu.vector_store_idx %arg6[%shift_right_logical3A_223], %broadcast_in_dim3A_7 {add = true} : memref<43008xf32, #tpu.memory_space<vmem>>[vector<16xi32>], vector<16xf32>,
      %scan3A_224 = arith.constant 0 : i32
      %scan3A_225 = arith.constant 2 : i32
      %scan3A_226 = arith.addi %scan3A_206, %scan3A_225 : i32
      %mul3A_227 = arith.constant 16 : i32
      %mul3A_228 = arith.muli %scan3A_226, %mul3A_227 : i32
      %get3A_229 = arith.index_cast %mul3A_228 : i32 to index
      %get3A_230 = tpu.vector_load %arg4[%get3A_229] {strides = array<i32>} : memref<11264xi32, #tpu.memory_space<vmem>>, vector<16xi32>,
      %and3A_231 = arith.andi %get3A_230, %broadcast_in_dim3A_9 : vector<16xi32>
      %shift_right_logical3A_232 = arith.constant 16 : i32
      %shift_right_logical3A_233 = vector.broadcast %shift_right_logical3A_232 : i32 to vector<16xi32>
      %shift_right_logical3A_234 = arith.shrui %get3A_230, %shift_right_logical3A_233 : vector<16xi32>
      tpu.vector_store_idx %arg6[%and3A_231], %broadcast_in_dim3A_7 {add = true} : memref<43008xf32, #tpu.memory_space<vmem>>[vector<16xi32>], vector<16xf32>,
      tpu.vector_store_idx %arg6[%shift_right_logical3A_234], %broadcast_in_dim3A_7 {add = true} : memref<43008xf32, #tpu.memory_space<vmem>>[vector<16xi32>], vector<16xf32>,
      %scan3A_235 = arith.constant 0 : i32
      %scan3A_236 = arith.constant 3 : i32
      %scan3A_237 = arith.addi %scan3A_206, %scan3A_236 : i32
      %mul3A_238 = arith.constant 16 : i32
      %mul3A_239 = arith.muli %scan3A_237, %mul3A_238 : i32
      %get3A_240 = arith.index_cast %mul3A_239 : i32 to index
      %get3A_241 = tpu.vector_load %arg4[%get3A_240] {strides = array<i32>} : memref<11264xi32, #tpu.memory_space<vmem>>, vector<16xi32>,
      %and3A_242 = arith.andi %get3A_241, %broadcast_in_dim3A_9 : vector<16xi32>
      %shift_right_logical3A_243 = arith.constant 16 : i32
      %shift_right_logical3A_244 = vector.broadcast %shift_right_logical3A_243 : i32 to vector<16xi32>
      %shift_right_logical3A_245 = arith.shrui %get3A_241, %shift_right_logical3A_244 : vector<16xi32>
      tpu.vector_store_idx %arg6[%and3A_242], %broadcast_in_dim3A_7 {add = true} : memref<43008xf32, #tpu.memory_space<vmem>>[vector<16xi32>], vector<16xf32>,
      tpu.vector_store_idx %arg6[%shift_right_logical3A_245], %broadcast_in_dim3A_7 {add = true} : memref<43008xf32, #tpu.memory_space<vmem>>[vector<16xi32>], vector<16xf32>,
      %scan3A_246 = arith.constant 0 : i32
      %scan3A_247 = arith.constant 4 : i32
      %scan3A_248 = arith.addi %scan3A_206, %scan3A_247 : i32
      %mul3A_249 = arith.constant 16 : i32
      %mul3A_250 = arith.muli %scan3A_248, %mul3A_249 : i32
      %get3A_251 = arith.index_cast %mul3A_250 : i32 to index
      %get3A_252 = tpu.vector_load %arg4[%get3A_251] {strides = array<i32>} : memref<11264xi32, #tpu.memory_space<vmem>>, vector<16xi32>,
      %and3A_253 = arith.andi %get3A_252, %broadcast_in_dim3A_9 : vector<16xi32>
      %shift_right_logical3A_254 = arith.constant 16 : i32
      %shift_right_logical3A_255 = vector.broadcast %shift_right_logical3A_254 : i32 to vector<16xi32>
      %shift_right_logical3A_256 = arith.shrui %get3A_252, %shift_right_logical3A_255 : vector<16xi32>
      tpu.vector_store_idx %arg6[%and3A_253], %broadcast_in_dim3A_7 {add = true} : memref<43008xf32, #tpu.memory_space<vmem>>[vector<16xi32>], vector<16xf32>,
      tpu.vector_store_idx %arg6[%shift_right_logical3A_256], %broadcast_in_dim3A_7 {add = true} : memref<43008xf32, #tpu.memory_space<vmem>>[vector<16xi32>], vector<16xf32>,
      %scan3A_257 = arith.constant 0 : i32
      %scan3A_258 = arith.constant 5 : i32
      %scan3A_259 = arith.addi %scan3A_206, %scan3A_258 : i32
      %mul3A_260 = arith.constant 16 : i32
      %mul3A_261 = arith.muli %scan3A_259, %mul3A_260 : i32
      %get3A_262 = arith.index_cast %mul3A_261 : i32 to index
      %get3A_263 = tpu.vector_load %arg4[%get3A_262] {strides = array<i32>} : memref<11264xi32, #tpu.memory_space<vmem>>, vector<16xi32>,
      %and3A_264 = arith.andi %get3A_263, %broadcast_in_dim3A_9 : vector<16xi32>
      %shift_right_logical3A_265 = arith.constant 16 : i32
      %shift_right_logical3A_266 = vector.broadcast %shift_right_logical3A_265 : i32 to vector<16xi32>
      %shift_right_logical3A_267 = arith.shrui %get3A_263, %shift_right_logical3A_266 : vector<16xi32>
      tpu.vector_store_idx %arg6[%and3A_264], %broadcast_in_dim3A_7 {add = true} : memref<43008xf32, #tpu.memory_space<vmem>>[vector<16xi32>], vector<16xf32>,
      tpu.vector_store_idx %arg6[%shift_right_logical3A_267], %broadcast_in_dim3A_7 {add = true} : memref<43008xf32, #tpu.memory_space<vmem>>[vector<16xi32>], vector<16xf32>,
      %scan3A_268 = arith.constant 0 : i32
      %scan3A_269 = arith.constant 6 : i32
      %scan3A_270 = arith.addi %scan3A_206, %scan3A_269 : i32
      %mul3A_271 = arith.constant 16 : i32
      %mul3A_272 = arith.muli %scan3A_270, %mul3A_271 : i32
      %get3A_273 = arith.index_cast %mul3A_272 : i32 to index
      %get3A_274 = tpu.vector_load %arg4[%get3A_273] {strides = array<i32>} : memref<11264xi32, #tpu.memory_space<vmem>>, vector<16xi32>,
      %and3A_275 = arith.andi %get3A_274, %broadcast_in_dim3A_9 : vector<16xi32>
      %shift_right_logical3A_276 = arith.constant 16 : i32
      %shift_right_logical3A_277 = vector.broadcast %shift_right_logical3A_276 : i32 to vector<16xi32>
      %shift_right_logical3A_278 = arith.shrui %get3A_274, %shift_right_logical3A_277 : vector<16xi32>
      tpu.vector_store_idx %arg6[%and3A_275], %broadcast_in_dim3A_7 {add = true} : memref<43008xf32, #tpu.memory_space<vmem>>[vector<16xi32>], vector<16xf32>,
      tpu.vector_store_idx %arg6[%shift_right_logical3A_278], %broadcast_in_dim3A_7 {add = true} : memref<43008xf32, #tpu.memory_space<vmem>>[vector<16xi32>], vector<16xf32>,
      %scan3A_279 = arith.constant 0 : i32
      %scan3A_280 = arith.constant 7 : i32
      %scan3A_281 = arith.addi %scan3A_206, %scan3A_280 : i32
      %mul3A_282 = arith.constant 16 : i32
      %mul3A_283 = arith.muli %scan3A_281, %mul3A_282 : i32
      %get3A_284 = arith.index_cast %mul3A_283 : i32 to index
      %get3A_285 = tpu.vector_load %arg4[%get3A_284] {strides = array<i32>} : memref<11264xi32, #tpu.memory_space<vmem>>, vector<16xi32>,
      %and3A_286 = arith.andi %get3A_285, %broadcast_in_dim3A_9 : vector<16xi32>
      %shift_right_logical3A_287 = arith.constant 16 : i32
      %shift_right_logical3A_288 = vector.broadcast %shift_right_logical3A_287 : i32 to vector<16xi32>
      %shift_right_logical3A_289 = arith.shrui %get3A_285, %shift_right_logical3A_288 : vector<16xi32>
      tpu.vector_store_idx %arg6[%and3A_286], %broadcast_in_dim3A_7 {add = true} : memref<43008xf32, #tpu.memory_space<vmem>>[vector<16xi32>], vector<16xf32>,
      tpu.vector_store_idx %arg6[%shift_right_logical3A_289], %broadcast_in_dim3A_7 {add = true} : memref<43008xf32, #tpu.memory_space<vmem>>[vector<16xi32>], vector<16xf32>,
      %scan3A_290 = arith.constant 0 : i32
      scf.yield %scan3A_290 : i32
    }
    %scan3A_140 = arith.constant 704 : i32
    %add3A_141 = arith.constant 5 : i32
    %add3A_142 = arith.addi %mul3A_11, %add3A_141 : i32
    %add3A_143 = arith.constant 1 : i32
    %add3A_144 = arith.addi %add3A_142, %add3A_143 : i32
    %dma_start3A_145 = arith.constant 0 : i32
    %dma_start3A_146 = tpu.memref_slice %arg2[%add3A_144, %dma_start3A_145] : memref<256x11264xi32, #tpu.memory_space<hbm>> -> memref<1x11264xi32, #tpu.memory_space<hbm>>
    %dma_start3A_147 = tpu.memref_squeeze %dma_start3A_146 : memref<1x11264xi32, #tpu.memory_space<hbm>> -> memref<11264xi32, #tpu.memory_space<hbm>>
    %dma_start3A_148 = arith.constant 0 : i32
    %dma_start3A_149 = tpu.memref_slice %arg2[%add3A_144, %dma_start3A_148] : memref<256x11264xi32, #tpu.memory_space<hbm>> -> memref<1x11264xi32, #tpu.memory_space<hbm>>
    %dma_start3A_150 = tpu.memref_squeeze %dma_start3A_149 : memref<1x11264xi32, #tpu.memory_space<hbm>> -> memref<11264xi32, #tpu.memory_space<hbm>>
    tpu.enqueue_dma source(%dma_start3A_150 : memref<11264xi32, #tpu.memory_space<hbm>>) target(%arg4 : memref<11264xi32, #tpu.memory_space<vmem>>) target_semaphore(%arg7 : memref<!tpu.dma_semaphore, #tpu.memory_space<semaphore_mem>>)
    %add3A_151 = arith.constant 5 : i32
    %add3A_152 = arith.addi %mul3A_11, %add3A_151 : i32
    %dma_wait3A_153 = arith.constant 0 : i32
    %dma_wait3A_154 = tpu.memref_slice %arg2[%add3A_152, %dma_wait3A_153] : memref<256x11264xi32, #tpu.memory_space<hbm>> -> memref<1x11264xi32, #tpu.memory_space<hbm>>
    %dma_wait3A_155 = tpu.memref_squeeze %dma_wait3A_154 : memref<1x11264xi32, #tpu.memory_space<hbm>> -> memref<11264xi32, #tpu.memory_space<hbm>>
    %dma_wait3A_156 = arith.constant 0 : i32
    %dma_wait3A_157 = tpu.memref_slice %arg2[%add3A_152, %dma_wait3A_156] : memref<256x11264xi32, #tpu.memory_space<hbm>> -> memref<1x11264xi32, #tpu.memory_space<hbm>>
    %dma_wait3A_158 = tpu.memref_squeeze %dma_wait3A_157 : memref<1x11264xi32, #tpu.memory_space<hbm>> -> memref<11264xi32, #tpu.memory_space<hbm>>
    tpu.wait_dma2 semaphore(%arg8 : memref<!tpu.dma_semaphore, #tpu.memory_space<semaphore_mem>>) src(%dma_wait3A_158 : memref<11264xi32, #tpu.memory_space<hbm>>) dst(%arg5 : memref<11264xi32, #tpu.memory_space<vmem>>)
    %scan3A_159 = arith.constant 0 : i32
    %scan3A_160 = arith.constant 0 : i32
    %scan3A_161 = arith.constant 704 : i32
    %scan3A_162 = arith.addi %scan3A_160, %scan3A_161 : i32
    %scan3A_163 = arith.constant 8 : i32
    %scan3A_164 = scf.for %scan3A_206 = %scan3A_160 to %scan3A_162 step %scan3A_163 iter_args(%scan3A_207 = %scan3A_159) -> (i32)  : i32 {
      %mul3A_208 = arith.constant 16 : i32
      %mul3A_209 = arith.muli %scan3A_206, %mul3A_208 : i32
      %get3A = arith.index_cast %mul3A_209 : i32 to index
      %get3A_210 = tpu.vector_load %arg5[%get3A] {strides = array<i32>} : memref<11264xi32, #tpu.memory_space<vmem>>, vector<16xi32>,
      %and3A = arith.andi %get3A_210, %broadcast_in_dim3A_9 : vector<16xi32>
      %shift_right_logical3A = arith.constant 16 : i32
      %shift_right_logical3A_211 = vector.broadcast %shift_right_logical3A : i32 to vector<16xi32>
      %shift_right_logical3A_212 = arith.shrui %get3A_210, %shift_right_logical3A_211 : vector<16xi32>
      tpu.vector_store_idx %arg6[%and3A], %broadcast_in_dim3A_7 {add = true} : memref<43008xf32, #tpu.memory_space<vmem>>[vector<16xi32>], vector<16xf32>,
      tpu.vector_store_idx %arg6[%shift_right_logical3A_212], %broadcast_in_dim3A_7 {add = true} : memref<43008xf32, #tpu.memory_space<vmem>>[vector<16xi32>], vector<16xf32>,
      %scan3A_213 = arith.constant 0 : i32
      %scan3A_214 = arith.constant 1 : i32
      %scan3A_215 = arith.addi %scan3A_206, %scan3A_214 : i32
      %mul3A_216 = arith.constant 16 : i32
      %mul3A_217 = arith.muli %scan3A_215, %mul3A_216 : i32
      %get3A_218 = arith.index_cast %mul3A_217 : i32 to index
      %get3A_219 = tpu.vector_load %arg5[%get3A_218] {strides = array<i32>} : memref<11264xi32, #tpu.memory_space<vmem>>, vector<16xi32>,
      %and3A_220 = arith.andi %get3A_219, %broadcast_in_dim3A_9 : vector<16xi32>
      %shift_right_logical3A_221 = arith.constant 16 : i32
      %shift_right_logical3A_222 = vector.broadcast %shift_right_logical3A_221 : i32 to vector<16xi32>
      %shift_right_logical3A_223 = arith.shrui %get3A_219, %shift_right_logical3A_222 : vector<16xi32>
      tpu.vector_store_idx %arg6[%and3A_220], %broadcast_in_dim3A_7 {add = true} : memref<43008xf32, #tpu.memory_space<vmem>>[vector<16xi32>], vector<16xf32>,
      tpu.vector_store_idx %arg6[%shift_right_logical3A_223], %broadcast_in_dim3A_7 {add = true} : memref<43008xf32, #tpu.memory_space<vmem>>[vector<16xi32>], vector<16xf32>,
      %scan3A_224 = arith.constant 0 : i32
      %scan3A_225 = arith.constant 2 : i32
      %scan3A_226 = arith.addi %scan3A_206, %scan3A_225 : i32
      %mul3A_227 = arith.constant 16 : i32
      %mul3A_228 = arith.muli %scan3A_226, %mul3A_227 : i32
      %get3A_229 = arith.index_cast %mul3A_228 : i32 to index
      %get3A_230 = tpu.vector_load %arg5[%get3A_229] {strides = array<i32>} : memref<11264xi32, #tpu.memory_space<vmem>>, vector<16xi32>,
      %and3A_231 = arith.andi %get3A_230, %broadcast_in_dim3A_9 : vector<16xi32>
      %shift_right_logical3A_232 = arith.constant 16 : i32
      %shift_right_logical3A_233 = vector.broadcast %shift_right_logical3A_232 : i32 to vector<16xi32>
      %shift_right_logical3A_234 = arith.shrui %get3A_230, %shift_right_logical3A_233 : vector<16xi32>
      tpu.vector_store_idx %arg6[%and3A_231], %broadcast_in_dim3A_7 {add = true} : memref<43008xf32, #tpu.memory_space<vmem>>[vector<16xi32>], vector<16xf32>,
      tpu.vector_store_idx %arg6[%shift_right_logical3A_234], %broadcast_in_dim3A_7 {add = true} : memref<43008xf32, #tpu.memory_space<vmem>>[vector<16xi32>], vector<16xf32>,
      %scan3A_235 = arith.constant 0 : i32
      %scan3A_236 = arith.constant 3 : i32
      %scan3A_237 = arith.addi %scan3A_206, %scan3A_236 : i32
      %mul3A_238 = arith.constant 16 : i32
      %mul3A_239 = arith.muli %scan3A_237, %mul3A_238 : i32
      %get3A_240 = arith.index_cast %mul3A_239 : i32 to index
      %get3A_241 = tpu.vector_load %arg5[%get3A_240] {strides = array<i32>} : memref<11264xi32, #tpu.memory_space<vmem>>, vector<16xi32>,
      %and3A_242 = arith.andi %get3A_241, %broadcast_in_dim3A_9 : vector<16xi32>
      %shift_right_logical3A_243 = arith.constant 16 : i32
      %shift_right_logical3A_244 = vector.broadcast %shift_right_logical3A_243 : i32 to vector<16xi32>
      %shift_right_logical3A_245 = arith.shrui %get3A_241, %shift_right_logical3A_244 : vector<16xi32>
      tpu.vector_store_idx %arg6[%and3A_242], %broadcast_in_dim3A_7 {add = true} : memref<43008xf32, #tpu.memory_space<vmem>>[vector<16xi32>], vector<16xf32>,
      tpu.vector_store_idx %arg6[%shift_right_logical3A_245], %broadcast_in_dim3A_7 {add = true} : memref<43008xf32, #tpu.memory_space<vmem>>[vector<16xi32>], vector<16xf32>,
      %scan3A_246 = arith.constant 0 : i32
      %scan3A_247 = arith.constant 4 : i32
      %scan3A_248 = arith.addi %scan3A_206, %scan3A_247 : i32
      %mul3A_249 = arith.constant 16 : i32
      %mul3A_250 = arith.muli %scan3A_248, %mul3A_249 : i32
      %get3A_251 = arith.index_cast %mul3A_250 : i32 to index
      %get3A_252 = tpu.vector_load %arg5[%get3A_251] {strides = array<i32>} : memref<11264xi32, #tpu.memory_space<vmem>>, vector<16xi32>,
      %and3A_253 = arith.andi %get3A_252, %broadcast_in_dim3A_9 : vector<16xi32>
      %shift_right_logical3A_254 = arith.constant 16 : i32
      %shift_right_logical3A_255 = vector.broadcast %shift_right_logical3A_254 : i32 to vector<16xi32>
      %shift_right_logical3A_256 = arith.shrui %get3A_252, %shift_right_logical3A_255 : vector<16xi32>
      tpu.vector_store_idx %arg6[%and3A_253], %broadcast_in_dim3A_7 {add = true} : memref<43008xf32, #tpu.memory_space<vmem>>[vector<16xi32>], vector<16xf32>,
      tpu.vector_store_idx %arg6[%shift_right_logical3A_256], %broadcast_in_dim3A_7 {add = true} : memref<43008xf32, #tpu.memory_space<vmem>>[vector<16xi32>], vector<16xf32>,
      %scan3A_257 = arith.constant 0 : i32
      %scan3A_258 = arith.constant 5 : i32
      %scan3A_259 = arith.addi %scan3A_206, %scan3A_258 : i32
      %mul3A_260 = arith.constant 16 : i32
      %mul3A_261 = arith.muli %scan3A_259, %mul3A_260 : i32
      %get3A_262 = arith.index_cast %mul3A_261 : i32 to index
      %get3A_263 = tpu.vector_load %arg5[%get3A_262] {strides = array<i32>} : memref<11264xi32, #tpu.memory_space<vmem>>, vector<16xi32>,
      %and3A_264 = arith.andi %get3A_263, %broadcast_in_dim3A_9 : vector<16xi32>
      %shift_right_logical3A_265 = arith.constant 16 : i32
      %shift_right_logical3A_266 = vector.broadcast %shift_right_logical3A_265 : i32 to vector<16xi32>
      %shift_right_logical3A_267 = arith.shrui %get3A_263, %shift_right_logical3A_266 : vector<16xi32>
      tpu.vector_store_idx %arg6[%and3A_264], %broadcast_in_dim3A_7 {add = true} : memref<43008xf32, #tpu.memory_space<vmem>>[vector<16xi32>], vector<16xf32>,
      tpu.vector_store_idx %arg6[%shift_right_logical3A_267], %broadcast_in_dim3A_7 {add = true} : memref<43008xf32, #tpu.memory_space<vmem>>[vector<16xi32>], vector<16xf32>,
      %scan3A_268 = arith.constant 0 : i32
      %scan3A_269 = arith.constant 6 : i32
      %scan3A_270 = arith.addi %scan3A_206, %scan3A_269 : i32
      %mul3A_271 = arith.constant 16 : i32
      %mul3A_272 = arith.muli %scan3A_270, %mul3A_271 : i32
      %get3A_273 = arith.index_cast %mul3A_272 : i32 to index
      %get3A_274 = tpu.vector_load %arg5[%get3A_273] {strides = array<i32>} : memref<11264xi32, #tpu.memory_space<vmem>>, vector<16xi32>,
      %and3A_275 = arith.andi %get3A_274, %broadcast_in_dim3A_9 : vector<16xi32>
      %shift_right_logical3A_276 = arith.constant 16 : i32
      %shift_right_logical3A_277 = vector.broadcast %shift_right_logical3A_276 : i32 to vector<16xi32>
      %shift_right_logical3A_278 = arith.shrui %get3A_274, %shift_right_logical3A_277 : vector<16xi32>
      tpu.vector_store_idx %arg6[%and3A_275], %broadcast_in_dim3A_7 {add = true} : memref<43008xf32, #tpu.memory_space<vmem>>[vector<16xi32>], vector<16xf32>,
      tpu.vector_store_idx %arg6[%shift_right_logical3A_278], %broadcast_in_dim3A_7 {add = true} : memref<43008xf32, #tpu.memory_space<vmem>>[vector<16xi32>], vector<16xf32>,
      %scan3A_279 = arith.constant 0 : i32
      %scan3A_280 = arith.constant 7 : i32
      %scan3A_281 = arith.addi %scan3A_206, %scan3A_280 : i32
      %mul3A_282 = arith.constant 16 : i32
      %mul3A_283 = arith.muli %scan3A_281, %mul3A_282 : i32
      %get3A_284 = arith.index_cast %mul3A_283 : i32 to index
      %get3A_285 = tpu.vector_load %arg5[%get3A_284] {strides = array<i32>} : memref<11264xi32, #tpu.memory_space<vmem>>, vector<16xi32>,
      %and3A_286 = arith.andi %get3A_285, %broadcast_in_dim3A_9 : vector<16xi32>
      %shift_right_logical3A_287 = arith.constant 16 : i32
      %shift_right_logical3A_288 = vector.broadcast %shift_right_logical3A_287 : i32 to vector<16xi32>
      %shift_right_logical3A_289 = arith.shrui %get3A_285, %shift_right_logical3A_288 : vector<16xi32>
      tpu.vector_store_idx %arg6[%and3A_286], %broadcast_in_dim3A_7 {add = true} : memref<43008xf32, #tpu.memory_space<vmem>>[vector<16xi32>], vector<16xf32>,
      tpu.vector_store_idx %arg6[%shift_right_logical3A_289], %broadcast_in_dim3A_7 {add = true} : memref<43008xf32, #tpu.memory_space<vmem>>[vector<16xi32>], vector<16xf32>,
      %scan3A_290 = arith.constant 0 : i32
      scf.yield %scan3A_290 : i32
    }
    %scan3A_165 = arith.constant 704 : i32
    %add3A_166 = arith.constant 6 : i32
    %add3A_167 = arith.addi %mul3A_11, %add3A_166 : i32
    %add3A_168 = arith.constant 1 : i32
    %add3A_169 = arith.addi %add3A_167, %add3A_168 : i32
    %dma_start3A_170 = arith.constant 0 : i32
    %dma_start3A_171 = tpu.memref_slice %arg2[%add3A_169, %dma_start3A_170] : memref<256x11264xi32, #tpu.memory_space<hbm>> -> memref<1x11264xi32, #tpu.memory_space<hbm>>
    %dma_start3A_172 = tpu.memref_squeeze %dma_start3A_171 : memref<1x11264xi32, #tpu.memory_space<hbm>> -> memref<11264xi32, #tpu.memory_space<hbm>>
    %dma_start3A_173 = arith.constant 0 : i32
    %dma_start3A_174 = tpu.memref_slice %arg2[%add3A_169, %dma_start3A_173] : memref<256x11264xi32, #tpu.memory_space<hbm>> -> memref<1x11264xi32, #tpu.memory_space<hbm>>
    %dma_start3A_175 = tpu.memref_squeeze %dma_start3A_174 : memref<1x11264xi32, #tpu.memory_space<hbm>> -> memref<11264xi32, #tpu.memory_space<hbm>>
    tpu.enqueue_dma source(%dma_start3A_175 : memref<11264xi32, #tpu.memory_space<hbm>>) target(%arg5 : memref<11264xi32, #tpu.memory_space<vmem>>) target_semaphore(%arg8 : memref<!tpu.dma_semaphore, #tpu.memory_space<semaphore_mem>>)
    %add3A_176 = arith.constant 6 : i32
    %add3A_177 = arith.addi %mul3A_11, %add3A_176 : i32
    %dma_wait3A_178 = arith.constant 0 : i32
    %dma_wait3A_179 = tpu.memref_slice %arg2[%add3A_177, %dma_wait3A_178] : memref<256x11264xi32, #tpu.memory_space<hbm>> -> memref<1x11264xi32, #tpu.memory_space<hbm>>
    %dma_wait3A_180 = tpu.memref_squeeze %dma_wait3A_179 : memref<1x11264xi32, #tpu.memory_space<hbm>> -> memref<11264xi32, #tpu.memory_space<hbm>>
    %dma_wait3A_181 = arith.constant 0 : i32
    %dma_wait3A_182 = tpu.memref_slice %arg2[%add3A_177, %dma_wait3A_181] : memref<256x11264xi32, #tpu.memory_space<hbm>> -> memref<1x11264xi32, #tpu.memory_space<hbm>>
    %dma_wait3A_183 = tpu.memref_squeeze %dma_wait3A_182 : memref<1x11264xi32, #tpu.memory_space<hbm>> -> memref<11264xi32, #tpu.memory_space<hbm>>
    tpu.wait_dma2 semaphore(%arg7 : memref<!tpu.dma_semaphore, #tpu.memory_space<semaphore_mem>>) src(%dma_wait3A_183 : memref<11264xi32, #tpu.memory_space<hbm>>) dst(%arg4 : memref<11264xi32, #tpu.memory_space<vmem>>)
    %scan3A_184 = arith.constant 0 : i32
    %scan3A_185 = arith.constant 0 : i32
    %scan3A_186 = arith.constant 704 : i32
    %scan3A_187 = arith.addi %scan3A_185, %scan3A_186 : i32
    %scan3A_188 = arith.constant 8 : i32
    %scan3A_189 = scf.for %scan3A_206 = %scan3A_185 to %scan3A_187 step %scan3A_188 iter_args(%scan3A_207 = %scan3A_184) -> (i32)  : i32 {
      %mul3A_208 = arith.constant 16 : i32
      %mul3A_209 = arith.muli %scan3A_206, %mul3A_208 : i32
      %get3A = arith.index_cast %mul3A_209 : i32 to index
      %get3A_210 = tpu.vector_load %arg4[%get3A] {strides = array<i32>} : memref<11264xi32, #tpu.memory_space<vmem>>, vector<16xi32>,
      %and3A = arith.andi %get3A_210, %broadcast_in_dim3A_9 : vector<16xi32>
      %shift_right_logical3A = arith.constant 16 : i32
      %shift_right_logical3A_211 = vector.broadcast %shift_right_logical3A : i32 to vector<16xi32>
      %shift_right_logical3A_212 = arith.shrui %get3A_210, %shift_right_logical3A_211 : vector<16xi32>
      tpu.vector_store_idx %arg6[%and3A], %broadcast_in_dim3A_7 {add = true} : memref<43008xf32, #tpu.memory_space<vmem>>[vector<16xi32>], vector<16xf32>,
      tpu.vector_store_idx %arg6[%shift_right_logical3A_212], %broadcast_in_dim3A_7 {add = true} : memref<43008xf32, #tpu.memory_space<vmem>>[vector<16xi32>], vector<16xf32>,
      %scan3A_213 = arith.constant 0 : i32
      %scan3A_214 = arith.constant 1 : i32
      %scan3A_215 = arith.addi %scan3A_206, %scan3A_214 : i32
      %mul3A_216 = arith.constant 16 : i32
      %mul3A_217 = arith.muli %scan3A_215, %mul3A_216 : i32
      %get3A_218 = arith.index_cast %mul3A_217 : i32 to index
      %get3A_219 = tpu.vector_load %arg4[%get3A_218] {strides = array<i32>} : memref<11264xi32, #tpu.memory_space<vmem>>, vector<16xi32>,
      %and3A_220 = arith.andi %get3A_219, %broadcast_in_dim3A_9 : vector<16xi32>
      %shift_right_logical3A_221 = arith.constant 16 : i32
      %shift_right_logical3A_222 = vector.broadcast %shift_right_logical3A_221 : i32 to vector<16xi32>
      %shift_right_logical3A_223 = arith.shrui %get3A_219, %shift_right_logical3A_222 : vector<16xi32>
      tpu.vector_store_idx %arg6[%and3A_220], %broadcast_in_dim3A_7 {add = true} : memref<43008xf32, #tpu.memory_space<vmem>>[vector<16xi32>], vector<16xf32>,
      tpu.vector_store_idx %arg6[%shift_right_logical3A_223], %broadcast_in_dim3A_7 {add = true} : memref<43008xf32, #tpu.memory_space<vmem>>[vector<16xi32>], vector<16xf32>,
      %scan3A_224 = arith.constant 0 : i32
      %scan3A_225 = arith.constant 2 : i32
      %scan3A_226 = arith.addi %scan3A_206, %scan3A_225 : i32
      %mul3A_227 = arith.constant 16 : i32
      %mul3A_228 = arith.muli %scan3A_226, %mul3A_227 : i32
      %get3A_229 = arith.index_cast %mul3A_228 : i32 to index
      %get3A_230 = tpu.vector_load %arg4[%get3A_229] {strides = array<i32>} : memref<11264xi32, #tpu.memory_space<vmem>>, vector<16xi32>,
      %and3A_231 = arith.andi %get3A_230, %broadcast_in_dim3A_9 : vector<16xi32>
      %shift_right_logical3A_232 = arith.constant 16 : i32
      %shift_right_logical3A_233 = vector.broadcast %shift_right_logical3A_232 : i32 to vector<16xi32>
      %shift_right_logical3A_234 = arith.shrui %get3A_230, %shift_right_logical3A_233 : vector<16xi32>
      tpu.vector_store_idx %arg6[%and3A_231], %broadcast_in_dim3A_7 {add = true} : memref<43008xf32, #tpu.memory_space<vmem>>[vector<16xi32>], vector<16xf32>,
      tpu.vector_store_idx %arg6[%shift_right_logical3A_234], %broadcast_in_dim3A_7 {add = true} : memref<43008xf32, #tpu.memory_space<vmem>>[vector<16xi32>], vector<16xf32>,
      %scan3A_235 = arith.constant 0 : i32
      %scan3A_236 = arith.constant 3 : i32
      %scan3A_237 = arith.addi %scan3A_206, %scan3A_236 : i32
      %mul3A_238 = arith.constant 16 : i32
      %mul3A_239 = arith.muli %scan3A_237, %mul3A_238 : i32
      %get3A_240 = arith.index_cast %mul3A_239 : i32 to index
      %get3A_241 = tpu.vector_load %arg4[%get3A_240] {strides = array<i32>} : memref<11264xi32, #tpu.memory_space<vmem>>, vector<16xi32>,
      %and3A_242 = arith.andi %get3A_241, %broadcast_in_dim3A_9 : vector<16xi32>
      %shift_right_logical3A_243 = arith.constant 16 : i32
      %shift_right_logical3A_244 = vector.broadcast %shift_right_logical3A_243 : i32 to vector<16xi32>
      %shift_right_logical3A_245 = arith.shrui %get3A_241, %shift_right_logical3A_244 : vector<16xi32>
      tpu.vector_store_idx %arg6[%and3A_242], %broadcast_in_dim3A_7 {add = true} : memref<43008xf32, #tpu.memory_space<vmem>>[vector<16xi32>], vector<16xf32>,
      tpu.vector_store_idx %arg6[%shift_right_logical3A_245], %broadcast_in_dim3A_7 {add = true} : memref<43008xf32, #tpu.memory_space<vmem>>[vector<16xi32>], vector<16xf32>,
      %scan3A_246 = arith.constant 0 : i32
      %scan3A_247 = arith.constant 4 : i32
      %scan3A_248 = arith.addi %scan3A_206, %scan3A_247 : i32
      %mul3A_249 = arith.constant 16 : i32
      %mul3A_250 = arith.muli %scan3A_248, %mul3A_249 : i32
      %get3A_251 = arith.index_cast %mul3A_250 : i32 to index
      %get3A_252 = tpu.vector_load %arg4[%get3A_251] {strides = array<i32>} : memref<11264xi32, #tpu.memory_space<vmem>>, vector<16xi32>,
      %and3A_253 = arith.andi %get3A_252, %broadcast_in_dim3A_9 : vector<16xi32>
      %shift_right_logical3A_254 = arith.constant 16 : i32
      %shift_right_logical3A_255 = vector.broadcast %shift_right_logical3A_254 : i32 to vector<16xi32>
      %shift_right_logical3A_256 = arith.shrui %get3A_252, %shift_right_logical3A_255 : vector<16xi32>
      tpu.vector_store_idx %arg6[%and3A_253], %broadcast_in_dim3A_7 {add = true} : memref<43008xf32, #tpu.memory_space<vmem>>[vector<16xi32>], vector<16xf32>,
      tpu.vector_store_idx %arg6[%shift_right_logical3A_256], %broadcast_in_dim3A_7 {add = true} : memref<43008xf32, #tpu.memory_space<vmem>>[vector<16xi32>], vector<16xf32>,
      %scan3A_257 = arith.constant 0 : i32
      %scan3A_258 = arith.constant 5 : i32
      %scan3A_259 = arith.addi %scan3A_206, %scan3A_258 : i32
      %mul3A_260 = arith.constant 16 : i32
      %mul3A_261 = arith.muli %scan3A_259, %mul3A_260 : i32
      %get3A_262 = arith.index_cast %mul3A_261 : i32 to index
      %get3A_263 = tpu.vector_load %arg4[%get3A_262] {strides = array<i32>} : memref<11264xi32, #tpu.memory_space<vmem>>, vector<16xi32>,
      %and3A_264 = arith.andi %get3A_263, %broadcast_in_dim3A_9 : vector<16xi32>
      %shift_right_logical3A_265 = arith.constant 16 : i32
      %shift_right_logical3A_266 = vector.broadcast %shift_right_logical3A_265 : i32 to vector<16xi32>
      %shift_right_logical3A_267 = arith.shrui %get3A_263, %shift_right_logical3A_266 : vector<16xi32>
      tpu.vector_store_idx %arg6[%and3A_264], %broadcast_in_dim3A_7 {add = true} : memref<43008xf32, #tpu.memory_space<vmem>>[vector<16xi32>], vector<16xf32>,
      tpu.vector_store_idx %arg6[%shift_right_logical3A_267], %broadcast_in_dim3A_7 {add = true} : memref<43008xf32, #tpu.memory_space<vmem>>[vector<16xi32>], vector<16xf32>,
      %scan3A_268 = arith.constant 0 : i32
      %scan3A_269 = arith.constant 6 : i32
      %scan3A_270 = arith.addi %scan3A_206, %scan3A_269 : i32
      %mul3A_271 = arith.constant 16 : i32
      %mul3A_272 = arith.muli %scan3A_270, %mul3A_271 : i32
      %get3A_273 = arith.index_cast %mul3A_272 : i32 to index
      %get3A_274 = tpu.vector_load %arg4[%get3A_273] {strides = array<i32>} : memref<11264xi32, #tpu.memory_space<vmem>>, vector<16xi32>,
      %and3A_275 = arith.andi %get3A_274, %broadcast_in_dim3A_9 : vector<16xi32>
      %shift_right_logical3A_276 = arith.constant 16 : i32
      %shift_right_logical3A_277 = vector.broadcast %shift_right_logical3A_276 : i32 to vector<16xi32>
      %shift_right_logical3A_278 = arith.shrui %get3A_274, %shift_right_logical3A_277 : vector<16xi32>
      tpu.vector_store_idx %arg6[%and3A_275], %broadcast_in_dim3A_7 {add = true} : memref<43008xf32, #tpu.memory_space<vmem>>[vector<16xi32>], vector<16xf32>,
      tpu.vector_store_idx %arg6[%shift_right_logical3A_278], %broadcast_in_dim3A_7 {add = true} : memref<43008xf32, #tpu.memory_space<vmem>>[vector<16xi32>], vector<16xf32>,
      %scan3A_279 = arith.constant 0 : i32
      %scan3A_280 = arith.constant 7 : i32
      %scan3A_281 = arith.addi %scan3A_206, %scan3A_280 : i32
      %mul3A_282 = arith.constant 16 : i32
      %mul3A_283 = arith.muli %scan3A_281, %mul3A_282 : i32
      %get3A_284 = arith.index_cast %mul3A_283 : i32 to index
      %get3A_285 = tpu.vector_load %arg4[%get3A_284] {strides = array<i32>} : memref<11264xi32, #tpu.memory_space<vmem>>, vector<16xi32>,
      %and3A_286 = arith.andi %get3A_285, %broadcast_in_dim3A_9 : vector<16xi32>
      %shift_right_logical3A_287 = arith.constant 16 : i32
      %shift_right_logical3A_288 = vector.broadcast %shift_right_logical3A_287 : i32 to vector<16xi32>
      %shift_right_logical3A_289 = arith.shrui %get3A_285, %shift_right_logical3A_288 : vector<16xi32>
      tpu.vector_store_idx %arg6[%and3A_286], %broadcast_in_dim3A_7 {add = true} : memref<43008xf32, #tpu.memory_space<vmem>>[vector<16xi32>], vector<16xf32>,
      tpu.vector_store_idx %arg6[%shift_right_logical3A_289], %broadcast_in_dim3A_7 {add = true} : memref<43008xf32, #tpu.memory_space<vmem>>[vector<16xi32>], vector<16xf32>,
      %scan3A_290 = arith.constant 0 : i32
      scf.yield %scan3A_290 : i32
    }
    %scan3A_190 = arith.constant 704 : i32
    %add3A_191 = arith.constant 7 : i32
    %add3A_192 = arith.addi %mul3A_11, %add3A_191 : i32
    %dma_wait3A_193 = arith.constant 0 : i32
    %dma_wait3A_194 = tpu.memref_slice %arg2[%add3A_192, %dma_wait3A_193] : memref<256x11264xi32, #tpu.memory_space<hbm>> -> memref<1x11264xi32, #tpu.memory_space<hbm>>
    %dma_wait3A_195 = tpu.memref_squeeze %dma_wait3A_194 : memref<1x11264xi32, #tpu.memory_space<hbm>> -> memref<11264xi32, #tpu.memory_space<hbm>>
    %dma_wait3A_196 = arith.constant 0 : i32
    %dma_wait3A_197 = tpu.memref_slice %arg2[%add3A_192, %dma_wait3A_196] : memref<256x11264xi32, #tpu.memory_space<hbm>> -> memref<1x11264xi32, #tpu.memory_space<hbm>>
    %dma_wait3A_198 = tpu.memref_squeeze %dma_wait3A_197 : memref<1x11264xi32, #tpu.memory_space<hbm>> -> memref<11264xi32, #tpu.memory_space<hbm>>
    tpu.wait_dma2 semaphore(%arg8 : memref<!tpu.dma_semaphore, #tpu.memory_space<semaphore_mem>>) src(%dma_wait3A_198 : memref<11264xi32, #tpu.memory_space<hbm>>) dst(%arg5 : memref<11264xi32, #tpu.memory_space<vmem>>)
    %scan3A_199 = arith.constant 0 : i32
    %scan3A_200 = arith.constant 0 : i32
    %scan3A_201 = arith.constant 704 : i32
    %scan3A_202 = arith.addi %scan3A_200, %scan3A_201 : i32
    %scan3A_203 = arith.constant 8 : i32
    %scan3A_204 = scf.for %scan3A_206 = %scan3A_200 to %scan3A_202 step %scan3A_203 iter_args(%scan3A_207 = %scan3A_199) -> (i32)  : i32 {
      %mul3A_208 = arith.constant 16 : i32
      %mul3A_209 = arith.muli %scan3A_206, %mul3A_208 : i32
      %get3A = arith.index_cast %mul3A_209 : i32 to index
      %get3A_210 = tpu.vector_load %arg5[%get3A] {strides = array<i32>} : memref<11264xi32, #tpu.memory_space<vmem>>, vector<16xi32>,
      %and3A = arith.andi %get3A_210, %broadcast_in_dim3A_9 : vector<16xi32>
      %shift_right_logical3A = arith.constant 16 : i32
      %shift_right_logical3A_211 = vector.broadcast %shift_right_logical3A : i32 to vector<16xi32>
      %shift_right_logical3A_212 = arith.shrui %get3A_210, %shift_right_logical3A_211 : vector<16xi32>
      tpu.vector_store_idx %arg6[%and3A], %broadcast_in_dim3A_7 {add = true} : memref<43008xf32, #tpu.memory_space<vmem>>[vector<16xi32>], vector<16xf32>,
      tpu.vector_store_idx %arg6[%shift_right_logical3A_212], %broadcast_in_dim3A_7 {add = true} : memref<43008xf32, #tpu.memory_space<vmem>>[vector<16xi32>], vector<16xf32>,
      %scan3A_213 = arith.constant 0 : i32
      %scan3A_214 = arith.constant 1 : i32
      %scan3A_215 = arith.addi %scan3A_206, %scan3A_214 : i32
      %mul3A_216 = arith.constant 16 : i32
      %mul3A_217 = arith.muli %scan3A_215, %mul3A_216 : i32
      %get3A_218 = arith.index_cast %mul3A_217 : i32 to index
      %get3A_219 = tpu.vector_load %arg5[%get3A_218] {strides = array<i32>} : memref<11264xi32, #tpu.memory_space<vmem>>, vector<16xi32>,
      %and3A_220 = arith.andi %get3A_219, %broadcast_in_dim3A_9 : vector<16xi32>
      %shift_right_logical3A_221 = arith.constant 16 : i32
      %shift_right_logical3A_222 = vector.broadcast %shift_right_logical3A_221 : i32 to vector<16xi32>
      %shift_right_logical3A_223 = arith.shrui %get3A_219, %shift_right_logical3A_222 : vector<16xi32>
      tpu.vector_store_idx %arg6[%and3A_220], %broadcast_in_dim3A_7 {add = true} : memref<43008xf32, #tpu.memory_space<vmem>>[vector<16xi32>], vector<16xf32>,
      tpu.vector_store_idx %arg6[%shift_right_logical3A_223], %broadcast_in_dim3A_7 {add = true} : memref<43008xf32, #tpu.memory_space<vmem>>[vector<16xi32>], vector<16xf32>,
      %scan3A_224 = arith.constant 0 : i32
      %scan3A_225 = arith.constant 2 : i32
      %scan3A_226 = arith.addi %scan3A_206, %scan3A_225 : i32
      %mul3A_227 = arith.constant 16 : i32
      %mul3A_228 = arith.muli %scan3A_226, %mul3A_227 : i32
      %get3A_229 = arith.index_cast %mul3A_228 : i32 to index
      %get3A_230 = tpu.vector_load %arg5[%get3A_229] {strides = array<i32>} : memref<11264xi32, #tpu.memory_space<vmem>>, vector<16xi32>,
      %and3A_231 = arith.andi %get3A_230, %broadcast_in_dim3A_9 : vector<16xi32>
      %shift_right_logical3A_232 = arith.constant 16 : i32
      %shift_right_logical3A_233 = vector.broadcast %shift_right_logical3A_232 : i32 to vector<16xi32>
      %shift_right_logical3A_234 = arith.shrui %get3A_230, %shift_right_logical3A_233 : vector<16xi32>
      tpu.vector_store_idx %arg6[%and3A_231], %broadcast_in_dim3A_7 {add = true} : memref<43008xf32, #tpu.memory_space<vmem>>[vector<16xi32>], vector<16xf32>,
      tpu.vector_store_idx %arg6[%shift_right_logical3A_234], %broadcast_in_dim3A_7 {add = true} : memref<43008xf32, #tpu.memory_space<vmem>>[vector<16xi32>], vector<16xf32>,
      %scan3A_235 = arith.constant 0 : i32
      %scan3A_236 = arith.constant 3 : i32
      %scan3A_237 = arith.addi %scan3A_206, %scan3A_236 : i32
      %mul3A_238 = arith.constant 16 : i32
      %mul3A_239 = arith.muli %scan3A_237, %mul3A_238 : i32
      %get3A_240 = arith.index_cast %mul3A_239 : i32 to index
      %get3A_241 = tpu.vector_load %arg5[%get3A_240] {strides = array<i32>} : memref<11264xi32, #tpu.memory_space<vmem>>, vector<16xi32>,
      %and3A_242 = arith.andi %get3A_241, %broadcast_in_dim3A_9 : vector<16xi32>
      %shift_right_logical3A_243 = arith.constant 16 : i32
      %shift_right_logical3A_244 = vector.broadcast %shift_right_logical3A_243 : i32 to vector<16xi32>
      %shift_right_logical3A_245 = arith.shrui %get3A_241, %shift_right_logical3A_244 : vector<16xi32>
      tpu.vector_store_idx %arg6[%and3A_242], %broadcast_in_dim3A_7 {add = true} : memref<43008xf32, #tpu.memory_space<vmem>>[vector<16xi32>], vector<16xf32>,
      tpu.vector_store_idx %arg6[%shift_right_logical3A_245], %broadcast_in_dim3A_7 {add = true} : memref<43008xf32, #tpu.memory_space<vmem>>[vector<16xi32>], vector<16xf32>,
      %scan3A_246 = arith.constant 0 : i32
      %scan3A_247 = arith.constant 4 : i32
      %scan3A_248 = arith.addi %scan3A_206, %scan3A_247 : i32
      %mul3A_249 = arith.constant 16 : i32
      %mul3A_250 = arith.muli %scan3A_248, %mul3A_249 : i32
      %get3A_251 = arith.index_cast %mul3A_250 : i32 to index
      %get3A_252 = tpu.vector_load %arg5[%get3A_251] {strides = array<i32>} : memref<11264xi32, #tpu.memory_space<vmem>>, vector<16xi32>,
      %and3A_253 = arith.andi %get3A_252, %broadcast_in_dim3A_9 : vector<16xi32>
      %shift_right_logical3A_254 = arith.constant 16 : i32
      %shift_right_logical3A_255 = vector.broadcast %shift_right_logical3A_254 : i32 to vector<16xi32>
      %shift_right_logical3A_256 = arith.shrui %get3A_252, %shift_right_logical3A_255 : vector<16xi32>
      tpu.vector_store_idx %arg6[%and3A_253], %broadcast_in_dim3A_7 {add = true} : memref<43008xf32, #tpu.memory_space<vmem>>[vector<16xi32>], vector<16xf32>,
      tpu.vector_store_idx %arg6[%shift_right_logical3A_256], %broadcast_in_dim3A_7 {add = true} : memref<43008xf32, #tpu.memory_space<vmem>>[vector<16xi32>], vector<16xf32>,
      %scan3A_257 = arith.constant 0 : i32
      %scan3A_258 = arith.constant 5 : i32
      %scan3A_259 = arith.addi %scan3A_206, %scan3A_258 : i32
      %mul3A_260 = arith.constant 16 : i32
      %mul3A_261 = arith.muli %scan3A_259, %mul3A_260 : i32
      %get3A_262 = arith.index_cast %mul3A_261 : i32 to index
      %get3A_263 = tpu.vector_load %arg5[%get3A_262] {strides = array<i32>} : memref<11264xi32, #tpu.memory_space<vmem>>, vector<16xi32>,
      %and3A_264 = arith.andi %get3A_263, %broadcast_in_dim3A_9 : vector<16xi32>
      %shift_right_logical3A_265 = arith.constant 16 : i32
      %shift_right_logical3A_266 = vector.broadcast %shift_right_logical3A_265 : i32 to vector<16xi32>
      %shift_right_logical3A_267 = arith.shrui %get3A_263, %shift_right_logical3A_266 : vector<16xi32>
      tpu.vector_store_idx %arg6[%and3A_264], %broadcast_in_dim3A_7 {add = true} : memref<43008xf32, #tpu.memory_space<vmem>>[vector<16xi32>], vector<16xf32>,
      tpu.vector_store_idx %arg6[%shift_right_logical3A_267], %broadcast_in_dim3A_7 {add = true} : memref<43008xf32, #tpu.memory_space<vmem>>[vector<16xi32>], vector<16xf32>,
      %scan3A_268 = arith.constant 0 : i32
      %scan3A_269 = arith.constant 6 : i32
      %scan3A_270 = arith.addi %scan3A_206, %scan3A_269 : i32
      %mul3A_271 = arith.constant 16 : i32
      %mul3A_272 = arith.muli %scan3A_270, %mul3A_271 : i32
      %get3A_273 = arith.index_cast %mul3A_272 : i32 to index
      %get3A_274 = tpu.vector_load %arg5[%get3A_273] {strides = array<i32>} : memref<11264xi32, #tpu.memory_space<vmem>>, vector<16xi32>,
      %and3A_275 = arith.andi %get3A_274, %broadcast_in_dim3A_9 : vector<16xi32>
      %shift_right_logical3A_276 = arith.constant 16 : i32
      %shift_right_logical3A_277 = vector.broadcast %shift_right_logical3A_276 : i32 to vector<16xi32>
      %shift_right_logical3A_278 = arith.shrui %get3A_274, %shift_right_logical3A_277 : vector<16xi32>
      tpu.vector_store_idx %arg6[%and3A_275], %broadcast_in_dim3A_7 {add = true} : memref<43008xf32, #tpu.memory_space<vmem>>[vector<16xi32>], vector<16xf32>,
      tpu.vector_store_idx %arg6[%shift_right_logical3A_278], %broadcast_in_dim3A_7 {add = true} : memref<43008xf32, #tpu.memory_space<vmem>>[vector<16xi32>], vector<16xf32>,
      %scan3A_279 = arith.constant 0 : i32
      %scan3A_280 = arith.constant 7 : i32
      %scan3A_281 = arith.addi %scan3A_206, %scan3A_280 : i32
      %mul3A_282 = arith.constant 16 : i32
      %mul3A_283 = arith.muli %scan3A_281, %mul3A_282 : i32
      %get3A_284 = arith.index_cast %mul3A_283 : i32 to index
      %get3A_285 = tpu.vector_load %arg5[%get3A_284] {strides = array<i32>} : memref<11264xi32, #tpu.memory_space<vmem>>, vector<16xi32>,
      %and3A_286 = arith.andi %get3A_285, %broadcast_in_dim3A_9 : vector<16xi32>
      %shift_right_logical3A_287 = arith.constant 16 : i32
      %shift_right_logical3A_288 = vector.broadcast %shift_right_logical3A_287 : i32 to vector<16xi32>
      %shift_right_logical3A_289 = arith.shrui %get3A_285, %shift_right_logical3A_288 : vector<16xi32>
      tpu.vector_store_idx %arg6[%and3A_286], %broadcast_in_dim3A_7 {add = true} : memref<43008xf32, #tpu.memory_space<vmem>>[vector<16xi32>], vector<16xf32>,
      tpu.vector_store_idx %arg6[%shift_right_logical3A_289], %broadcast_in_dim3A_7 {add = true} : memref<43008xf32, #tpu.memory_space<vmem>>[vector<16xi32>], vector<16xf32>,
      %scan3A_290 = arith.constant 0 : i32
      scf.yield %scan3A_290 : i32
    }
    %scan3A_205 = arith.constant 704 : i32
    "tpu.region"() ({
      %run_scoped3A = tpu.sem_alloc : memref<!tpu.dma_semaphore, #tpu.memory_space<semaphore_mem>>
      %dma_start3A_206 = arith.constant 0 : i32
      %dma_start3A_207 = tpu.memref_slice %arg3[%add3A, %dma_start3A_206] : memref<32x43008xf32, #tpu.memory_space<hbm>> -> memref<1x43008xf32, #tpu.memory_space<hbm>>
      %dma_start3A_208 = tpu.memref_squeeze %dma_start3A_207 : memref<1x43008xf32, #tpu.memory_space<hbm>> -> memref<43008xf32, #tpu.memory_space<hbm>>
      %dma_start3A_209 = arith.constant 0 : i32
      %dma_start3A_210 = tpu.memref_slice %arg3[%add3A, %dma_start3A_209] : memref<32x43008xf32, #tpu.memory_space<hbm>> -> memref<1x43008xf32, #tpu.memory_space<hbm>>
      %dma_start3A_211 = tpu.memref_squeeze %dma_start3A_210 : memref<1x43008xf32, #tpu.memory_space<hbm>> -> memref<43008xf32, #tpu.memory_space<hbm>>
      tpu.enqueue_dma source(%arg6 : memref<43008xf32, #tpu.memory_space<vmem>>) target(%dma_start3A_211 : memref<43008xf32, #tpu.memory_space<hbm>>) target_semaphore(%run_scoped3A : memref<!tpu.dma_semaphore, #tpu.memory_space<semaphore_mem>>)
      %dma_wait3A_212 = arith.constant 0 : i32
      %dma_wait3A_213 = tpu.memref_slice %arg3[%add3A, %dma_wait3A_212] : memref<32x43008xf32, #tpu.memory_space<hbm>> -> memref<1x43008xf32, #tpu.memory_space<hbm>>
      %dma_wait3A_214 = tpu.memref_squeeze %dma_wait3A_213 : memref<1x43008xf32, #tpu.memory_space<hbm>> -> memref<43008xf32, #tpu.memory_space<hbm>>
      %dma_wait3A_215 = arith.constant 0 : i32
      %dma_wait3A_216 = tpu.memref_slice %arg3[%add3A, %dma_wait3A_215] : memref<32x43008xf32, #tpu.memory_space<hbm>> -> memref<1x43008xf32, #tpu.memory_space<hbm>>
      %dma_wait3A_217 = tpu.memref_squeeze %dma_wait3A_216 : memref<1x43008xf32, #tpu.memory_space<hbm>> -> memref<43008xf32, #tpu.memory_space<hbm>>
      tpu.wait_dma2 semaphore(%run_scoped3A : memref<!tpu.dma_semaphore, #tpu.memory_space<semaphore_mem>>) src(%arg6 : memref<43008xf32, #tpu.memory_space<vmem>>) dst(%dma_wait3A_217 : memref<43008xf32, #tpu.memory_space<hbm>>)
      tpu.yield
    }) : () -> ()
    return
  }
}

module attributes {stable_mosaic.version = 14 : i64} {
  func.func @_binize_body(%arg0: i32, %arg1: memref<21x2048xf32, #tpu.memory_space<vmem>>, %arg2: memref<1x1x2048xi32, #tpu.memory_space<vmem>>, %arg3: memref<11x2048xi32, #tpu.memory_space<vmem>>) attributes {dimension_semantics = [#tpu.dimension_semantics<arbitrary>], iteration_bounds = array<i64: 128>, scalar_prefetch = 0 : i64, scratch_operands = 0 : i64, tpu.core_type = #tpu.core_type<tc>, window_params = [{transform_indices = @transform_0, window_bounds = array<i64: 21, 2048>}, {transform_indices = @transform_1, window_bounds = array<i64: 1, 1, 2048>}, {transform_indices = @transform_2, window_bounds = array<i64: 11, 2048>}]} {
    %get3A = arith.constant 0 : index
    %get3A_0 = arith.constant 0 : index
    %get3A_1 = vector.load %arg1[%get3A, %get3A_0] : memref<21x2048xf32, #tpu.memory_space<vmem>>, vector<21x2048xf32>
    %reduce_max3A = arith.constant dense<0xFF800000> : vector<2048xf32>
    %reduce_max3A_2 = vector.multi_reduction <maximumf>, %get3A_1, %reduce_max3A [0] : vector<21x2048xf32> to vector<2048xf32>
    %broadcast_in_dim3A = vector.shape_cast %reduce_max3A_2 : vector<2048xf32> to vector<1x2048xf32>
    %sub3A = vector.broadcast %broadcast_in_dim3A : vector<1x2048xf32> to vector<21x2048xf32>
    %sub3A_3 = arith.subf %get3A_1, %sub3A : vector<21x2048xf32>
    %exp3A = math.exp %sub3A_3 : vector<21x2048xf32>
    %reduce_sum3A = arith.constant dense<0.000000e+00> : vector<2048xf32>
    %reduce_sum3A_4 = vector.multi_reduction <add>, %exp3A, %reduce_sum3A [0] : vector<21x2048xf32> to vector<2048xf32>
    %broadcast_in_dim3A_5 = vector.shape_cast %reduce_sum3A_4 : vector<2048xf32> to vector<1x2048xf32>
    %div3A = vector.broadcast %broadcast_in_dim3A_5 : vector<1x2048xf32> to vector<21x2048xf32>
    %div3A_6 = arith.divf %exp3A, %div3A : vector<21x2048xf32>
    %get3A_7 = arith.constant 0 : index
    %get3A_8 = arith.constant 0 : index
    %get3A_9 = arith.constant 0 : index
    %get3A_10 = vector.load %arg2[%get3A_7, %get3A_8, %get3A_9] : memref<1x1x2048xi32, #tpu.memory_space<vmem>>, vector<1x1x2048xi32>
    %get3A_11 = vector.shape_cast %get3A_10 : vector<1x1x2048xi32> to vector<1x2048xi32>
    %iota3A = tpu.iota {dimensions = array<i32: 0>} : vector<21x2048xi32>
    %eq3A = vector.broadcast %get3A_11 : vector<1x2048xi32> to vector<21x2048xi32>
    %eq3A_12 = arith.cmpi eq, %eq3A, %iota3A : vector<21x2048xi32>
    %sub3A_13 = arith.constant 1.000000e+00 : f32
    %sub3A_14 = vector.broadcast %sub3A_13 : f32 to vector<21x2048xf32>
    %sub3A_15 = arith.subf %sub3A_14, %div3A_6 : vector<21x2048xf32>
    %select_n3A = arith.select %eq3A_12, %div3A_6, %sub3A_15 : vector<21x2048xi1>, vector<21x2048xf32>
    %mul3A = arith.constant 1.024000e+03 : f32
    %mul3A_16 = vector.broadcast %mul3A : f32 to vector<21x2048xf32>
    %mul3A_17 = arith.mulf %select_n3A, %mul3A_16 : vector<21x2048xf32>
    %convert_element_type3A = arith.fptosi %mul3A_17 : vector<21x2048xf32> to vector<21x2048xi32>
    %jit3A = arith.constant 0 : i32
    %jit3A_18 = arith.constant 1023 : i32
    %max3A = vector.broadcast %jit3A : i32 to vector<21x2048xi32>
    %max3A_19 = arith.maxsi %max3A, %convert_element_type3A : vector<21x2048xi32>
    %min3A = vector.broadcast %jit3A_18 : i32 to vector<21x2048xi32>
    %min3A_20 = arith.minsi %min3A, %max3A_19 : vector<21x2048xi32>
    %mul3A_21 = arith.constant 1024 : i32
    %mul3A_22 = vector.broadcast %mul3A_21 : i32 to vector<21x2048xi32>
    %mul3A_23 = arith.muli %iota3A, %mul3A_22 : vector<21x2048xi32>
    %add3A = arith.addi %min3A_20, %mul3A_23 : vector<21x2048xi32>
    %jit3A_24 = arith.constant 0.000000e+00 : f32
    %broadcast_in_dim3A_25 = vector.broadcast %jit3A_24 : f32 to vector<21x2048xf32>
    %select_n3A_26 = arith.select %eq3A_12, %select_n3A, %broadcast_in_dim3A_25 : vector<21x2048xi1>, vector<21x2048xf32>
    %reduce_sum3A_27 = arith.constant dense<0.000000e+00> : vector<2048xf32>
    %reduce_sum3A_28 = vector.multi_reduction <add>, %select_n3A_26, %reduce_sum3A_27 [0] : vector<21x2048xf32> to vector<2048xf32>
    %broadcast_in_dim3A_29 = vector.shape_cast %reduce_sum3A_28 : vector<2048xf32> to vector<1x2048xf32>
    %mul3A_30 = arith.constant 1.024000e+03 : f32
    %mul3A_31 = vector.broadcast %mul3A_30 : f32 to vector<1x2048xf32>
    %mul3A_32 = arith.mulf %broadcast_in_dim3A_29, %mul3A_31 : vector<1x2048xf32>
    %convert_element_type3A_33 = arith.fptosi %mul3A_32 : vector<1x2048xf32> to vector<1x2048xi32>
    %jit3A_34 = arith.constant 0 : i32
    %jit3A_35 = arith.constant 1023 : i32
    %max3A_36 = vector.broadcast %jit3A_34 : i32 to vector<1x2048xi32>
    %max3A_37 = arith.maxsi %max3A_36, %convert_element_type3A_33 : vector<1x2048xi32>
    %min3A_38 = vector.broadcast %jit3A_35 : i32 to vector<1x2048xi32>
    %min3A_39 = arith.minsi %min3A_38, %max3A_37 : vector<1x2048xi32>
    %mul3A_40 = arith.constant 1024 : i32
    %mul3A_41 = vector.broadcast %mul3A_40 : i32 to vector<1x2048xi32>
    %mul3A_42 = arith.muli %get3A_11, %mul3A_41 : vector<1x2048xi32>
    %add3A_43 = arith.addi %min3A_39, %mul3A_42 : vector<1x2048xi32>
    %add3A_44 = arith.constant 21504 : i32
    %add3A_45 = vector.broadcast %add3A_44 : i32 to vector<1x2048xi32>
    %add3A_46 = arith.addi %add3A_43, %add3A_45 : vector<1x2048xi32>
    %concatenate3A = tpu.concatenate %add3A, %add3A_46 in 0 : vector<21x2048xi32>, vector<1x2048xi32> -> vector<22x2048xi32>
    %slice3A = vector.extract_strided_slice %concatenate3A {offsets = [0, 0], sizes = [11, 2048], strides = [1, 1]} : vector<22x2048xi32> to vector<11x2048xi32>
    %slice3A_47 = vector.extract_strided_slice %concatenate3A {offsets = [11, 0], sizes = [11, 2048], strides = [1, 1]} : vector<22x2048xi32> to vector<11x2048xi32>
    %shift_left3A = arith.constant 16 : i32
    %shift_left3A_48 = vector.broadcast %shift_left3A : i32 to vector<11x2048xi32>
    %shift_left3A_49 = arith.shli %slice3A_47, %shift_left3A_48 : vector<11x2048xi32>
    %or3A = arith.ori %slice3A, %shift_left3A_49 : vector<11x2048xi32>
    %swap3A = arith.constant 0 : index
    %swap3A_50 = arith.constant 0 : index
    %swap3A_51 = vector.load %arg3[%swap3A, %swap3A_50] : memref<11x2048xi32, #tpu.memory_space<vmem>>, vector<11x2048xi32>
    tpu.vector_store %arg3[%swap3A, %swap3A_50], %or3A {strides = array<i32>} : memref<11x2048xi32, #tpu.memory_space<vmem>>, vector<11x2048xi32>,
    return
  }
  func.func @transform_0(%arg0: i32) -> (i32, i32) {
    %c0_i32 = arith.constant 0 : i32
    %c0_i32_0 = arith.constant 0 : i32
    return %c0_i32, %arg0 : i32, i32
  }
  func.func @transform_1(%arg0: i32) -> (i32, i32, i32) {
    %c0_i32 = arith.constant 0 : i32
    %c0_i32_0 = arith.constant 0 : i32
    %c0_i32_1 = arith.constant 0 : i32
    return %arg0, %c0_i32, %c0_i32_0 : i32, i32, i32
  }
  func.func @transform_2(%arg0: i32) -> (i32, i32) {
    %c0_i32 = arith.constant 0 : i32
    %c0_i32_0 = arith.constant 0 : i32
    return %c0_i32, %arg0 : i32, i32
  }
}

module attributes {stable_mosaic.version = 14 : i64} {
  func.func @_finish_body(%arg0: memref<32x42x1024xf32, #tpu.memory_space<vmem>>, %arg1: memref<1x1xf32, #tpu.memory_space<vmem>>) attributes {dimension_semantics = [], scalar_prefetch = 0 : i64, scratch_operands = 0 : i64, tpu.core_type = #tpu.core_type<tc>} {
    %get3A = arith.constant 0 : index
    %get3A_0 = arith.constant 0 : index
    %get3A_1 = arith.constant 0 : index
    %get3A_2 = vector.load %arg0[%get3A, %get3A_0, %get3A_1] : memref<32x42x1024xf32, #tpu.memory_space<vmem>>, vector<32x42x1024xf32>
    %reduce_sum3A = arith.constant dense<0.000000e+00> : vector<42x1024xf32>
    %reduce_sum3A_3 = vector.multi_reduction <add>, %get3A_2, %reduce_sum3A [0] : vector<32x42x1024xf32> to vector<42x1024xf32>
    %slice3A = vector.extract_strided_slice %reduce_sum3A_3 {offsets = [0, 0], sizes = [21, 1024], strides = [1, 1]} : vector<42x1024xf32> to vector<21x1024xf32>
    %slice3A_4 = vector.extract_strided_slice %reduce_sum3A_3 {offsets = [21, 0], sizes = [21, 1024], strides = [1, 1]} : vector<42x1024xf32> to vector<21x1024xf32>
    %reduce_sum3A_5 = arith.constant dense<0.000000e+00> : vector<21xf32>
    %reduce_sum3A_6 = vector.multi_reduction <add>, %slice3A_4, %reduce_sum3A_5 [1] : vector<21x1024xf32> to vector<21xf32>
    %broadcast_in_dim3A = vector.shape_cast %reduce_sum3A_6 : vector<21xf32> to vector<21x1xf32>
    %iota3A = tpu.iota {dimensions = array<i32: 0>} : vector<1024x1024xi32>
    %iota3A_7 = tpu.iota {dimensions = array<i32: 1>} : vector<1024x1024xi32>
    %ge3A = arith.cmpi sge, %iota3A, %iota3A_7 : vector<1024x1024xi32>
    %convert_element_type3A = arith.extui %ge3A : vector<1024x1024xi1> to vector<1024x1024xi32>
    %convert_element_type3A_8 = arith.sitofp %convert_element_type3A : vector<1024x1024xi32> to vector<1024x1024xf32>
    %dot_general3A = arith.constant dense<0.000000e+00> : vector<21x1024xf32>
    %dot_general3A_9 = tpu.matmul %slice3A, %convert_element_type3A_8, %dot_general3A {dimension_numbers = #tpu.dot_dimension_numbers<[1], [0], [0], [1], [0, 0, 1, 1], [], []>, transpose_lhs_hint = false} : vector<21x1024xf32>, vector<1024x1024xf32>, vector<21x1024xf32> -> vector<21x1024xf32>
    %dot_general3A_10 = arith.constant dense<0.000000e+00> : vector<21x1024xf32>
    %dot_general3A_11 = tpu.matmul %slice3A_4, %convert_element_type3A_8, %dot_general3A_10 {dimension_numbers = #tpu.dot_dimension_numbers<[1], [0], [0], [1], [0, 0, 1, 1], [], []>, transpose_lhs_hint = false} : vector<21x1024xf32>, vector<1024x1024xf32>, vector<21x1024xf32> -> vector<21x1024xf32>
    %add3A = vector.broadcast %broadcast_in_dim3A : vector<21x1xf32> to vector<21x1024xf32>
    %add3A_12 = arith.addf %add3A, %dot_general3A_9 : vector<21x1024xf32>
    %sub3A = arith.subf %add3A_12, %dot_general3A_11 : vector<21x1024xf32>
    %max3A = arith.constant 1.000000e+00 : f32
    %max3A_13 = vector.broadcast %max3A : f32 to vector<21x1024xf32>
    %max3A_14 = arith.maximumf %sub3A, %max3A_13 : vector<21x1024xf32>
    %div3A = arith.divf %dot_general3A_9, %max3A_14 : vector<21x1024xf32>
    %slice3A_15 = vector.extract_strided_slice %div3A {offsets = [0, 1], sizes = [21, 1023], strides = [1, 1]} : vector<21x1024xf32> to vector<21x1023xf32>
    %broadcast_in_dim3A_16 = arith.constant 0.000000e+00 : f32
    %broadcast_in_dim3A_17 = vector.broadcast %broadcast_in_dim3A_16 : f32 to vector<21x1xf32>
    %concatenate3A = tpu.concatenate %slice3A_15, %broadcast_in_dim3A_17 in 1 : vector<21x1023xf32>, vector<21x1xf32> -> vector<21x1024xf32>
    %iota3A_18 = tpu.iota {dimensions = array<i32: 1>} : vector<21x1024xi32>
    %convert_element_type3A_19 = arith.sitofp %iota3A_18 : vector<21x1024xi32> to vector<21x1024xf32>
    %add3A_20 = arith.constant 5.000000e-01 : f32
    %add3A_21 = vector.broadcast %add3A_20 : f32 to vector<21x1024xf32>
    %add3A_22 = arith.addf %convert_element_type3A_19, %add3A_21 : vector<21x1024xf32>
    %mul3A = arith.constant 9.765625E-4 : f32
    %mul3A_23 = vector.broadcast %mul3A : f32 to vector<21x1024xf32>
    %mul3A_24 = arith.mulf %add3A_22, %mul3A_23 : vector<21x1024xf32>
    %sub3A_25 = arith.subf %div3A, %concatenate3A : vector<21x1024xf32>
    %mul3A_26 = arith.mulf %mul3A_24, %sub3A_25 : vector<21x1024xf32>
    %reduce_sum3A_27 = arith.constant dense<0.000000e+00> : vector<21xf32>
    %reduce_sum3A_28 = vector.multi_reduction <add>, %mul3A_26, %reduce_sum3A_27 [1] : vector<21x1024xf32> to vector<21xf32>
    %broadcast_in_dim3A_29 = vector.shape_cast %reduce_sum3A_28 : vector<21xf32> to vector<21x1xf32>
    %gt3A = arith.constant 0.000000e+00 : f32
    %gt3A_30 = vector.broadcast %gt3A : f32 to vector<21x1xf32>
    %gt3A_31 = arith.cmpf ogt, %broadcast_in_dim3A, %gt3A_30 : vector<21x1xf32>
    %convert_element_type3A_32 = arith.extui %gt3A_31 : vector<21x1xi1> to vector<21x1xi32>
    %convert_element_type3A_33 = arith.sitofp %convert_element_type3A_32 : vector<21x1xi32> to vector<21x1xf32>
    %mul3A_34 = arith.mulf %broadcast_in_dim3A_29, %convert_element_type3A_33 : vector<21x1xf32>
    %reduce_sum3A_35 = vector.shape_cast %mul3A_34 : vector<21x1xf32> to vector<1x21x1xf32>
    %reduce_sum3A_36 = arith.constant dense<0.000000e+00> : vector<1xf32>
    %reduce_sum3A_37 = vector.multi_reduction <add>, %reduce_sum3A_35, %reduce_sum3A_36 [1, 2] : vector<1x21x1xf32> to vector<1xf32>
    %reduce_sum3A_38 = vector.shape_cast %reduce_sum3A_37 : vector<1xf32> to vector<1x1x1xf32>
    %reduce_sum3A_39 = vector.extract %reduce_sum3A_38[0, 0, 0] : f32 from vector<1x1x1xf32>
    %reduce_sum3A_40 = vector.shape_cast %convert_element_type3A_33 : vector<21x1xf32> to vector<1x21x1xf32>
    %reduce_sum3A_41 = arith.constant dense<0.000000e+00> : vector<1xf32>
    %reduce_sum3A_42 = vector.multi_reduction <add>, %reduce_sum3A_40, %reduce_sum3A_41 [1, 2] : vector<1x21x1xf32> to vector<1xf32>
    %reduce_sum3A_43 = vector.shape_cast %reduce_sum3A_42 : vector<1xf32> to vector<1x1x1xf32>
    %reduce_sum3A_44 = vector.extract %reduce_sum3A_43[0, 0, 0] : f32 from vector<1x1x1xf32>
    %max3A_45 = arith.constant 1.000000e+00 : f32
    %max3A_46 = arith.maximumf %reduce_sum3A_44, %max3A_45 : f32
    %div3A_47 = arith.divf %reduce_sum3A_39, %max3A_46 : f32
    %reshape3A = vector.broadcast %div3A_47 : f32 to vector<1x1xf32>
    %swap3A = arith.constant 0 : index
    %swap3A_48 = arith.constant 0 : index
    %swap3A_49 = vector.load %arg1[%swap3A, %swap3A_48] : memref<1x1xf32, #tpu.memory_space<vmem>>, vector<1x1xf32>
    tpu.vector_store %arg1[%swap3A, %swap3A_48], %reshape3A {strides = array<i32>} : memref<1x1xf32, #tpu.memory_space<vmem>>, vector<1x1xf32>,
    return
  }
}

</mosaic_0001>

<sc_bundles>
// kernel: kernel.5.cloned.1.call-start
scs
__scs_entry_jumppad:
0x0: {  	(pc) =	sbr.rel $0x88, $3  }
0x1: {  	(tag) =	ssettag $0x0;
	lr =	simm.s32 $0x1  }
0x2: {  	[smem:$0x3F9F] =	sst lr;
	_ =	strace $0xD0000000  }
0x3: {  	_ = 	snop  }
0x4: {  	_ = 	snop  }
0x5: {  	_ = 	snop  }
0x6: {  	_ = 	snop  }
0x7: {  	_ = 	snop  }
__scs_overlays_trampoline_lowered:
0x8: {  	[smem:$0x3FAE] =	sst s0  }
0x9: {  	[smem:$0x3FAF] =	sst s1  }
0xa: {  	[smem:$0x3FB0] =	sst s2  }
0xb: {  	[smem:$0x3FB1] =	sst s3  }
0xc: {  	[smem:$0x3FB2] =	sst s4  }
0xd: {  	[smem:$0x3FB3] =	sst s5  }
0xe: {  	[smem:$0x3FB4] =	sst s6  }
0xf: {  	[smem:$0x3FB5] =	sst s7  }
0x10: {  	[smem:$0x3FB6] =	sst s8  }
0x11: {  	[smem:$0x3FB7] =	sst s9;
	s0 =	simm.s32 @!p0 $0x0  }
0x12: {  	s1 =	sld [smem:$0x3F9D];
	s0 =	simm.s32 @p0 $0x1  }
0x13: {  	[smem:$0x3FB8] =	sst s0;
	s0 =	simm.s32 @!p1 $0x0  }
0x14: {  	s2 =	sld [smem:$0x3F9C];
	s0 =	simm.s32 @p1 $0x1  }
0x15: {  	[smem:$0x3FB9] =	sst s0;
	s0 =	simm.s32 @!p2 $0x0  }
0x16: {  	s3 =	sld [smem:$0x3FDB];
	s0 =	simm.s32 @p2 $0x1  }
0x17: {  	s4 =	simm.s32 $0x1BF5;
	[smem:$0x3FBB] =	sst s0  }
0x18: {  	s0 =	sld [smem:$0x3F9E];
	_ =	swait.ge [sflag:s4], $0x0  }
0x19: {  	s7 =	sld [smem:$0x3F9F]  }
0x1a: {  	s8 =	sadd.s32 $0xFFFFE003, lr  }
0x1b: {  	s9 =	sadd.s32 $0xFFFFFEF7, lr;
	s5 =	simm.s32 $0xFFFFFFFF;
	p2 =	slt.u32 s8, $0xFFFFF086  }
0x1c: {  	p1 =	slt.u32 s9, $0xF7A;
	s5 =	simm.s32 @!p2 $0x0  }
0x1d: {  	s5 =	simm.s32 @p1 $0x1;
	p0 =	seq.s32 s7, s2  }
0x1e: {  	s7 =	smul.u32 @!p0 $0xF7A, s2;
	p2 =	seq.s32 @!p0 s5, $0x0  }
0x1f: {  	s9 =	smul.u32 $0xF7A, s1;
	s8 =	simm.s32 @!p0 $0x1BF5;
	p2 =	por !p2, p0  }
0x20: {  	[sflag:s8] =	ssyncset.s32 @!p0 $0xFFFFF086;
	s6 =	sadd.s32 @!p0 s3, s7;
	s7 =	simm.s32 @!p0 $0x108  }
0x21: {  	s3 =	sadd.s32 s3, s9;
	s6 =	sadd.s32 @!p0 $0x88, s6;
	s7 =	simm.s32 @p2 $0x1082  }
0x22: {  	[simem:s7], [sflag:s8] =	dma.local @!p0 [hbm:s6], $0xF7A  }
0x23: {  	s9 =	sor.u32 $0xD0000000, s2;
	s6 =	simm.s32 $0x108;
	_ =	swait.ge @!p0 [sflag:s8], $0x0  }
0x24: {  	s3 =	sadd.s32 $0x88, s3;
	s6 =	simm.s32 @!p1 $0x1082;
	[sflag:s4] =	ssyncset.s32 $0xFFFFF086  }
0x25: {  	[simem:s6], [sflag:s4] =	dma.local [hbm:s3], $0xF7A  }
0x26: {  	[smem:$0x3F9F] =	sst s1;
	(tag) =	ssettag s2;
	_ =	strace s9  }
0x27: {  	s1 =	sld [smem:$0x3FAF]  }
0x28: {  	s2 =	sld [smem:$0x3FB0]  }
0x29: {  	s4 =	sld [smem:$0x3FB2]  }
0x2a: {  	p0 =	seq.s32 s5, $0x0;
	s5 =	sld [smem:$0x3FB3]  }
0x2b: {  	s6 =	sld [smem:$0x3FB4]  }
0x2c: {  	s7 =	sld [smem:$0x3FB5]  }
0x2d: {  	s3 =	simm.s32 $0x108;
	s8 =	sld [smem:$0x3FB6]  }
0x2e: {  	s3 =	simm.s32 @!p0 $0x1082;
	s9 =	sld [smem:$0x3FB7]  }
0x2f: {  	lr =	sadd.s32 s0, s3;
	s0 =	sld [smem:$0x3FAE]  }
0x30: {  	s3 =	sld [smem:$0x3FB1]  }
0x31: {  	[smem:$0x3FBA] =	sst s10  }
0x32: {  	s10 =	sld [smem:$0x3FB8];
	_ =	sdelay $0x3  }
0x33: {  	p0 =	seq.s32 s10, $0x1;
	s10 =	sld [smem:$0x3FBA];
	_ =	sdelay $0x3  }
0x34: {  	[smem:$0x3FBA] =	sst s10  }
0x35: {  	s10 =	sld [smem:$0x3FB9];
	_ =	sdelay $0x3  }
0x36: {  	p1 =	seq.s32 s10, $0x1;
	s10 =	sld [smem:$0x3FBA];
	_ =	sdelay $0x3  }
0x37: {  	[smem:$0x3FBA] =	sst s10  }
0x38: {  	s10 =	sld [smem:$0x3FBB]  }
0x39: {  	_ = 	snop;
	(pc) =	sbr.ind lr, $3  }
0x3a: {  	_ = 	snop  }
0x3b: {  	_ = 	snop  }
0x3c: {  	p2 =	seq.s32 s10, $0x1;
	s10 =	sld [smem:$0x3FBA]  }
0x3d: {  	_ =	shalt  }
0x3e: {  	_ =	shalt  }
0x3f: {  	_ =	shalt  }
0x40: {  	_ =	shalt  }
0x41: {  	_ =	shalt  }
0x42: {  	_ =	shalt  }
0x43: {  	_ =	shalt  }
0x44: {  	_ =	shalt  }
0x45: {  	_ =	shalt  }
0x46: {  	_ =	shalt  }
0x47: {  	_ =	shalt  }
0x48: {  	_ =	shalt  }
0x49: {  	_ =	shalt  }
0x4a: {  	_ =	shalt  }
0x4b: {  	_ =	shalt  }
0x4c: {  	_ =	shalt  }
0x4d: {  	_ =	shalt  }
0x4e: {  	_ =	shalt  }
0x4f: {  	_ =	shalt  }
0x50: {  	_ =	shalt  }
0x51: {  	_ =	shalt  }
0x52: {  	_ =	shalt  }
0x53: {  	_ =	shalt  }
0x54: {  	_ =	shalt  }
0x55: {  	_ =	shalt  }
0x56: {  	_ =	shalt  }
0x57: {  	_ =	shalt  }
0x58: {  	_ =	shalt  }
0x59: {  	_ =	shalt  }
0x5a: {  	_ =	shalt  }
0x5b: {  	_ =	shalt  }
0x5c: {  	_ =	shalt  }
0x5d: {  	_ =	shalt  }
0x5e: {  	_ =	shalt  }
0x5f: {  	_ =	shalt  }
0x60: {  	_ =	shalt  }
0x61: {  	_ =	shalt  }
0x62: {  	_ =	shalt  }
0x63: {  	_ =	shalt  }
0x64: {  	_ =	shalt  }
0x65: {  	_ =	shalt  }
0x66: {  	_ =	shalt  }
0x67: {  	_ =	shalt  }
0x68: {  	_ =	shalt  }
0x69: {  	_ =	shalt  }
0x6a: {  	_ =	shalt  }
0x6b: {  	_ =	shalt  }
0x6c: {  	_ =	shalt  }
0x6d: {  	_ =	shalt  }
0x6e: {  	_ =	shalt  }
0x6f: {  	_ =	shalt  }
0x70: {  	_ =	shalt  }
0x71: {  	_ =	shalt  }
0x72: {  	_ =	shalt  }
0x73: {  	_ =	shalt  }
0x74: {  	_ =	shalt  }
0x75: {  	_ =	shalt  }
0x76: {  	_ =	shalt  }
0x77: {  	_ =	shalt  }
0x78: {  	_ =	shalt  }
0x79: {  	_ =	shalt  }
0x7a: {  	_ =	shalt  }
0x7b: {  	_ =	shalt  }
0x7c: {  	_ =	shalt  }
0x7d: {  	_ =	shalt  }
0x7e: {  	_ =	shalt  }
0x7f: {  	_ =	shalt  }
0x80: {  	_ =	shalt  }
0x81: {  	_ =	shalt  }
0x82: {  	_ =	shalt  }
0x83: {  	_ =	shalt  }
0x84: {  	_ =	shalt  }
0x85: {  	_ =	shalt  }
0x86: {  	_ =	shalt  }
0x87: {  	_ =	shalt  }
.Lfunc_end0:
.L_simem_size_0:
called_computation_lowered:
.L_overlay_start_0:
0x88: {  	s2 =	sld [smem:$0x3FD9]  }
0x89: {  	s3 =	sld [smem:$0x3FFE];
	_ =	sdelay $0x1  }
0x8a: {  	s1 =	srdreg.scid  }
0x8b: {  	s0 =	sand.u32 $0x1, s1  }
0x8c: {  	s16 =	sshll.u32 s0, $0xA;
	s2 =	sadd.s32 s3, s2  }
0x8d: {  	s2 =	sadd.s32 s2, s16  }
0x8e: {  	[smem:$0x3FC6] =	sst s2  }
0x8f: {  	_ = 	snop  }
0x90: {  	(tm) =	ssettm $0x1  }
0x91: {  	s17 =	sld [smem:$0x3FFB];
	_ =	sdelay $0x3  }
0x92: {  	_ =	strace s17  }
0x93: {  	s2 =	sld [smem:$0x3FFC];
	_ =	sdelay $0x3  }
0x94: {  	_ =	strace s2  }
0x95: {  	s2 =	sld [smem:$0x3FFD];
	_ =	sdelay $0x3  }
0x96: {  	_ =	strace s2  }
0x97: {  	_ =	strace $0x8FFFFFFF  }
0x98: {  	s18 =	sld [smem:$0x3FDB];
	_ =	sdelay $0x1  }
0x99: {  	s19 =	simm.s32 $_scs_section_size  }
0x9a: {  	s4 =	simm.s32 $_size__tile_overlayer_lowered;
	s5 =	simm.s32 $_tile_overlayer_lowered  }
0x9b: {  	s22 =	simm.s32 $0x1BFF;
	s21 =	sshll.u32 s5, $0x1;
	s2 =	sadd.s32 s19, s18  }
0x9c: {  	s6 =	simm.s32 $0x0;
	s20 =	sshll.u32 s4, $0x1;
	s4 =	sadd.s32 s21, s2  }
0x9d: {  	[timem:s6], [sflag:s22] =	dma.local [hbm:s4], s20  }
0x9e: {  	_ =	swait.ge [sflag:s22], s20  }
0x9f: {  	s3 =	ssub.s32 $0x0, s20;
	[sflag:s22] =	ssyncset.done $0x0  }
0xa0: {  	[sflag:s22] =	ssyncadd.s32 s3;
	_ =	sdelay $0x1  }
0xa1: {  	s23 =	simm.s32 $0x1B8B  }
0xa2: {  	_ =	swait.ge [sflag:s23], $0x1  }
0xa3: {  	[sflag:s23] =	ssyncset.done $0x0  }
0xa4: {  	s25 =	simm.s32 $0x1B8E;
	s24 =	sld [smem:$0x3FFE];
	[sflag:s23] =	ssyncadd.s32 $0xFFFFFFFF  }
0xa5: {  	s26 =	simm.s32 $execute0_lowered;
	[smem:$0x3FD2] =	sst s25  }
0xa6: {  	s4 =	sshll.u32 s26, $0x1;
	_ =	strace $0x80000046;
	[dreg:$0x1] =	wrdreg $0xFFFFFFFF  }
0xa7: {  	s28 =	simm.s32 $_size_execute0_lowered;
	s2 =	sadd.s32 s2, s4;
	[dreg:$0x0] =	wrdreg $0x0  }
0xa8: {  	s4 =	sshll.u32 s28, $0x1;
	[dreg:$0x2] =	wrdreg s2  }
0xa9: {  	[dreg:$0x3] =	wrdreg s4  }
0xaa: {  	[dreg:$0x4] =	wrdreg $0xC0  }
0xab: {  	_ =	task [dreg:s6], $0x5FFFF  }
0xac: {  	[dreg:$0x1] =	wrdreg $0xFFFFFFFF  }
0xad: {  	[dreg:$0x0] =	wrdreg $0x60  }
0xae: {  	[dreg:$0x2] =	wrdreg s24  }
0xaf: {  	[dreg:$0x3] =	wrdreg $0x9  }
0xb0: {  	_ =	task.clear_ibuf [dreg:s6], $0x4FFFF;
	_ =	strace $0x90000046  }
0xb1: {  	s29 =	simm.s32 $0x9;
	_ =	strace $0x80000048  }
0xb2: {  	_ =	swait.ge [sflag:s29], $0x1  }
0xb3: {  	[sflag:s29] =	ssyncadd.s32 $0xFFFFFFFF  }
0xb4: {  	_ =	strace $0x90000048  }
0xb5: {  	_ =	sfence  }
0xb6: {  	s30 =	sld [smem:$0x0];
	_ =	sdelay $0x2  }
0xb7: {  	s31 =	sshll.u32 s1, $0xD;
	s1 =	sshrl.u32 s1, $0x2  }
0xb8: {  	s3 =	sand.u32 $0x4000, s31;
	s1 =	sadd.s32 s1, s30  }
0xb9: {  	s0 =	sor.u32 s3, s0;
	s1 =	sshll.u32 s1, $0x11  }
0xba: {  	s0 =	sor.u32 s1, s0  }
0xbb: {  	s0 =	sadd.s32 $0x8F2B, s0  }
0xbc: {  	[sflag:s0] =	ssyncadd.remote.s32 $0x1  }
0xbd: {  	_ =	sfence.sel $0xFFFF  }
0xbe: {  	[dreg:$0x0] =	wrdreg $0xFFFFFFFF;
	(pc) =	sbr.abs _section_cstart, $3  }
0xbf: {  	[dreg:$0x1] =	wrdreg $0xFFFFFFFF  }
0xc0: {  	_ =	task.clear_ibuf [dreg:s6], $0x2FFFF;
	_ =	strace $0x9FFFFFFF  }
0xc1: {  	(tm) =	ssettm $0x7FFFFFFF  }
tec
execute0_lowered:
.L_overlay_start_1:
0x0: {  	(tag) =	ssettag $0x1  }
0x1: {  	s1 =	srdreg.scid  }
0x2: {  	s0 =	stileid.u32;
	s3 =	rddreg [dreg:$0x0];
	s13 =	simm.s32 $0x80  }
0x3: {  	s14 =	simm.s32 $0x400;
	s15 =	simm.s32 $0x2C00;
	s16 =	simm.s32 $0x1  }
0x4: {  	s17 =	simm.s32 $0x5800;
	s18 =	simm.s32 $0x2;
	s19 =	simm.s32 $0x3  }
0x5: {  	s20 =	simm.s32 $0x0;
	s4 =	sand.u32 $0x1, s1;
	s2 =	sshll.u32 s0, $0x1  }
0x6: {  	s1 =	rddreg [dreg:$0x1];
	s6 =	sshrl.u32 s0, $0x2;
	s5 =	sor.u32 s4, s2  }
0x7: {  	s2 =	simm.s32 $0x0;
	s6 =	smul.u32 $0x54000, s6;
	s4 =	ssub.s32 $0x2, s4  }
0x8: {  	s7 =	sshll.u32 s5, $0x7;
	[smem:$0x7FF] =	sst s2;
	s5 =	smul.u32 $0x2C00, s5  }
0x9: {  	s31 =	sshrl.u32 s4, $0x1;
	s7 =	sand.u32 $0x380, s7;
	_ =	strace $0x80000047  }
0xa: {  	s12 =	ssub.s32 s4, s31;
	s6 =	sor.u32 s6, s7;
	s10 =	sadd.s32 s5, s3  }
0xb: {  	s12 =	smax.u32 s12, $0x1;
	s6 =	sshrl.u32 s6, $0x3;
	s4 =	sadd.s32 $0x610, s10  }
0xc: {  	s5 =	sadd.s32 $0x620, s10;
	s7 =	sadd.s32 $0x640, s10;
	s8 =	sadd.s32 $0x650, s10  }
0xd: {  	s9 =	sadd.s32 $0x660, s10;
	s11 =	sadd.s32 s6, s3;
	s3 =	sadd.s32 $0x600, s10  }
0xe: {  	v0 =	vimm.f32 $0.0e+00;
	v1 =	vimm.f32 $1.000000000e+00;
	s6 =	sadd.s32 $0x630, s10;
	s10 =	sadd.s32 $0x670, s10;
	s11 =	sadd.s32 $0x58600, s11  }
.LBB2_1:
0xf: {  	s21 =	simm.s32 $0x5840  }
0x10: {  	[tilespmem:s21+$0xFFFFFFC0] =	vst v0  }
0x11: {  	[tilespmem:s21+$0x30] =	vst v0  }
0x12: {  	[tilespmem:s21+$0x20] =	vst v0  }
0x13: {  	[tilespmem:s21+$0x10] =	vst v0  }
0x14: {  	[tilespmem:s21+$0x0] =	vst v0  }
0x15: {  	[tilespmem:s21+$0xFFFFFFF0] =	vst v0  }
0x16: {  	s22 =	simm.s32 $0x0;
	[tilespmem:s21+$0xFFFFFFE0] =	vst v0  }
.LBB2_2:
0x17: {  	s22 =	sadd.s32 $0x8, s22;
	[tilespmem:s21+$0xFFFFFFD0] =	vst v0;
	s21 =	sadd.s32 $0x80, s21  }
0x18: {  	[tilespmem:s21+$0xFFFFFFC0] =	vst v0;
	p0 =	slt.u32 s22, $0xA78  }
0x19: {  	[tilespmem:s21+$0x30] =	vst v0  }
.Ltmp0:
0x1a: {  	[tilespmem:s21+$0x20] =	vst v0;
	(pc) =	sbr.rel @p0 .LBB2_2-.Ltmp0, $4  }
0x1b: {  	[tilespmem:s21+$0x10] =	vst v0  }
0x1c: {  	[tilespmem:s21+$0x0] =	vst v0  }
0x1d: {  	[tilespmem:s21+$0xFFFFFFF0] =	vst v0  }
0x1e: {  	[tilespmem:s21+$0xFFFFFFE0] =	vst v0  }
0x1f: {  	[tilespmem:s21+$0xFFFFFFD0] =	vst v0  }
0x20: {  	[tilespmem:s2], [sflag:$0x1] =	stream.strided.gather [hbm4b:s3+s13], $0x2C00, s14, s13, $0x38;
	[tilespmem:$0x10000] =	vst v63  }
0x21: {  	_ = 	snop  }
0x22: {  	[tilespmem:s15], [sflag:$0x2] =	stream.strided.gather [hbm4b:s4+s13], $0x2C00, s14, s13, $0x38;
	[tilespmem:$0x10000] =	vst v63  }
0x23: {  	_ =	swait.ge [sflag:s16], $0x2C00  }
0x24: {  	[sflag:s16] =	ssyncset.done $0x0  }
0x25: {  	s21 =	simm.s32 $0xFFFFFFF8;
	s22 =	simm.s32 $0x40;
	[sflag:s16] =	ssyncadd.s32 $0xFFFFD400  }
.LBB2_4:
0x26: {  	v2 =	vld [tilespmem:s22+$0xFFFFFFC0];
	_ =	sdelay $0x4  }
0x27: {  	v3 =	vand.u32 $0xFFFF, v2  }
0x28: {  	v2 =	vshrl.u32 v2, $0x10;
	_ =	sdelay $0x3  }
0x29: {  	[tilespmem:v3+s17+$0x0] =	vst.idx.add.f32.msk $0xffff, v1  }
0x2a: {  	[tilespmem:v2+s17+$0x0] =	vst.idx.add.f32.msk $0xffff, v1  }
0x2b: {  	v2 =	vld [tilespmem:s22+$0xFFFFFFD0];
	_ =	sdelay $0x4  }
0x2c: {  	v3 =	vand.u32 $0xFFFF, v2  }
0x2d: {  	v2 =	vshrl.u32 v2, $0x10;
	_ =	sdelay $0x3  }
0x2e: {  	[tilespmem:v3+s17+$0x0] =	vst.idx.add.f32.msk $0xffff, v1  }
0x2f: {  	[tilespmem:v2+s17+$0x0] =	vst.idx.add.f32.msk $0xffff, v1  }
0x30: {  	v2 =	vld [tilespmem:s22+$0xFFFFFFE0];
	_ =	sdelay $0x4  }
0x31: {  	v3 =	vand.u32 $0xFFFF, v2  }
0x32: {  	v2 =	vshrl.u32 v2, $0x10;
	_ =	sdelay $0x3  }
0x33: {  	[tilespmem:v3+s17+$0x0] =	vst.idx.add.f32.msk $0xffff, v1  }
0x34: {  	[tilespmem:v2+s17+$0x0] =	vst.idx.add.f32.msk $0xffff, v1  }
0x35: {  	v2 =	vld [tilespmem:s22+$0xFFFFFFF0];
	_ =	sdelay $0x4  }
0x36: {  	v3 =	vand.u32 $0xFFFF, v2  }
0x37: {  	v2 =	vshrl.u32 v2, $0x10;
	_ =	sdelay $0x3  }
0x38: {  	[tilespmem:v3+s17+$0x0] =	vst.idx.add.f32.msk $0xffff, v1  }
0x39: {  	[tilespmem:v2+s17+$0x0] =	vst.idx.add.f32.msk $0xffff, v1  }
0x3a: {  	v2 =	vld [tilespmem:s22+$0x0];
	_ =	sdelay $0x4  }
0x3b: {  	v3 =	vand.u32 $0xFFFF, v2  }
0x3c: {  	v2 =	vshrl.u32 v2, $0x10;
	_ =	sdelay $0x3  }
0x3d: {  	[tilespmem:v3+s17+$0x0] =	vst.idx.add.f32.msk $0xffff, v1  }
0x3e: {  	[tilespmem:v2+s17+$0x0] =	vst.idx.add.f32.msk $0xffff, v1  }
0x3f: {  	v2 =	vld [tilespmem:s22+$0x10];
	_ =	sdelay $0x4  }
0x40: {  	v3 =	vand.u32 $0xFFFF, v2  }
0x41: {  	v2 =	vshrl.u32 v2, $0x10;
	_ =	sdelay $0x3  }
0x42: {  	[tilespmem:v3+s17+$0x0] =	vst.idx.add.f32.msk $0xffff, v1  }
0x43: {  	[tilespmem:v2+s17+$0x0] =	vst.idx.add.f32.msk $0xffff, v1  }
0x44: {  	v2 =	vld [tilespmem:s22+$0x20];
	_ =	sdelay $0x4  }
0x45: {  	v3 =	vand.u32 $0xFFFF, v2  }
0x46: {  	v2 =	vshrl.u32 v2, $0x10;
	_ =	sdelay $0x3  }
0x47: {  	[tilespmem:v3+s17+$0x0] =	vst.idx.add.f32.msk $0xffff, v1  }
0x48: {  	[tilespmem:v2+s17+$0x0] =	vst.idx.add.f32.msk $0xffff, v1  }
0x49: {  	v2 =	vld [tilespmem:s22+$0x30];
	_ =	sdelay $0x4  }
0x4a: {  	s21 =	sadd.s32 $0x8, s21;
	v3 =	vand.u32 $0xFFFF, v2  }
0x4b: {  	p0 =	slt.u32 s21, $0x2B8;
	v2 =	vshrl.u32 v2, $0x10  }
.Ltmp1:
0x4c: {  	_ = 	snop;
	(pc) =	sbr.rel @p0 .LBB2_4-.Ltmp1, $3  }
0x4d: {  	_ =	sdelay $0x1  }
0x4e: {  	[tilespmem:v3+s17+$0x0] =	vst.idx.add.f32.msk $0xffff, v1  }
0x4f: {  	s22 =	sadd.s32 $0x80, s22;
	[tilespmem:v2+s17+$0x0] =	vst.idx.add.f32.msk $0xffff, v1  }
0x50: {  	[tilespmem:s2], [sflag:$0x1] =	stream.strided.gather [hbm4b:s5+s13], $0x2C00, s14, s13, $0x38;
	[tilespmem:$0x10000] =	vst v63  }
0x51: {  	_ =	swait.ge [sflag:s18], $0x2C00  }
0x52: {  	[sflag:s18] =	ssyncset.done $0x0  }
0x53: {  	s21 =	simm.s32 $0xFFFFFFF8;
	s22 =	simm.s32 $0x2C40;
	[sflag:s18] =	ssyncadd.s32 $0xFFFFD400  }
.LBB2_6:
0x54: {  	v2 =	vld [tilespmem:s22+$0xFFFFFFC0];
	_ =	sdelay $0x4  }
0x55: {  	v3 =	vand.u32 $0xFFFF, v2  }
0x56: {  	v2 =	vshrl.u32 v2, $0x10;
	_ =	sdelay $0x3  }
0x57: {  	[tilespmem:v3+s17+$0x0] =	vst.idx.add.f32.msk $0xffff, v1  }
0x58: {  	[tilespmem:v2+s17+$0x0] =	vst.idx.add.f32.msk $0xffff, v1  }
0x59: {  	v2 =	vld [tilespmem:s22+$0xFFFFFFD0];
	_ =	sdelay $0x4  }
0x5a: {  	v3 =	vand.u32 $0xFFFF, v2  }
0x5b: {  	v2 =	vshrl.u32 v2, $0x10;
	_ =	sdelay $0x3  }
0x5c: {  	[tilespmem:v3+s17+$0x0] =	vst.idx.add.f32.msk $0xffff, v1  }
0x5d: {  	[tilespmem:v2+s17+$0x0] =	vst.idx.add.f32.msk $0xffff, v1  }
0x5e: {  	v2 =	vld [tilespmem:s22+$0xFFFFFFE0];
	_ =	sdelay $0x4  }
0x5f: {  	v3 =	vand.u32 $0xFFFF, v2  }
0x60: {  	v2 =	vshrl.u32 v2, $0x10;
	_ =	sdelay $0x3  }
0x61: {  	[tilespmem:v3+s17+$0x0] =	vst.idx.add.f32.msk $0xffff, v1  }
0x62: {  	[tilespmem:v2+s17+$0x0] =	vst.idx.add.f32.msk $0xffff, v1  }
0x63: {  	v2 =	vld [tilespmem:s22+$0xFFFFFFF0];
	_ =	sdelay $0x4  }
0x64: {  	v3 =	vand.u32 $0xFFFF, v2  }
0x65: {  	v2 =	vshrl.u32 v2, $0x10;
	_ =	sdelay $0x3  }
0x66: {  	[tilespmem:v3+s17+$0x0] =	vst.idx.add.f32.msk $0xffff, v1  }
0x67: {  	[tilespmem:v2+s17+$0x0] =	vst.idx.add.f32.msk $0xffff, v1  }
0x68: {  	v2 =	vld [tilespmem:s22+$0x0];
	_ =	sdelay $0x4  }
0x69: {  	v3 =	vand.u32 $0xFFFF, v2  }
0x6a: {  	v2 =	vshrl.u32 v2, $0x10;
	_ =	sdelay $0x3  }
0x6b: {  	[tilespmem:v3+s17+$0x0] =	vst.idx.add.f32.msk $0xffff, v1  }
0x6c: {  	[tilespmem:v2+s17+$0x0] =	vst.idx.add.f32.msk $0xffff, v1  }
0x6d: {  	v2 =	vld [tilespmem:s22+$0x10];
	_ =	sdelay $0x4  }
0x6e: {  	v3 =	vand.u32 $0xFFFF, v2  }
0x6f: {  	v2 =	vshrl.u32 v2, $0x10;
	_ =	sdelay $0x3  }
0x70: {  	[tilespmem:v3+s17+$0x0] =	vst.idx.add.f32.msk $0xffff, v1  }
0x71: {  	[tilespmem:v2+s17+$0x0] =	vst.idx.add.f32.msk $0xffff, v1  }
0x72: {  	v2 =	vld [tilespmem:s22+$0x20];
	_ =	sdelay $0x4  }
0x73: {  	v3 =	vand.u32 $0xFFFF, v2  }
0x74: {  	v2 =	vshrl.u32 v2, $0x10;
	_ =	sdelay $0x3  }
0x75: {  	[tilespmem:v3+s17+$0x0] =	vst.idx.add.f32.msk $0xffff, v1  }
0x76: {  	[tilespmem:v2+s17+$0x0] =	vst.idx.add.f32.msk $0xffff, v1  }
0x77: {  	v2 =	vld [tilespmem:s22+$0x30];
	_ =	sdelay $0x4  }
0x78: {  	s21 =	sadd.s32 $0x8, s21;
	v3 =	vand.u32 $0xFFFF, v2  }
0x79: {  	p0 =	slt.u32 s21, $0x2B8;
	v2 =	vshrl.u32 v2, $0x10  }
.Ltmp2:
0x7a: {  	_ = 	snop;
	(pc) =	sbr.rel @p0 .LBB2_6-.Ltmp2, $3  }
0x7b: {  	_ =	sdelay $0x1  }
0x7c: {  	[tilespmem:v3+s17+$0x0] =	vst.idx.add.f32.msk $0xffff, v1  }
0x7d: {  	s22 =	sadd.s32 $0x80, s22;
	[tilespmem:v2+s17+$0x0] =	vst.idx.add.f32.msk $0xffff, v1  }
0x7e: {  	[tilespmem:s15], [sflag:$0x2] =	stream.strided.gather [hbm4b:s6+s13], $0x2C00, s14, s13, $0x38;
	[tilespmem:$0x10000] =	vst v63  }
0x7f: {  	_ =	swait.ge [sflag:s16], $0x2C00  }
0x80: {  	[sflag:s16] =	ssyncset.done $0x0  }
0x81: {  	s21 =	simm.s32 $0xFFFFFFF8;
	s22 =	simm.s32 $0x40;
	[sflag:s16] =	ssyncadd.s32 $0xFFFFD400  }
.LBB2_8:
0x82: {  	v2 =	vld [tilespmem:s22+$0xFFFFFFC0];
	_ =	sdelay $0x4  }
0x83: {  	v3 =	vand.u32 $0xFFFF, v2  }
0x84: {  	v2 =	vshrl.u32 v2, $0x10;
	_ =	sdelay $0x3  }
0x85: {  	[tilespmem:v3+s17+$0x0] =	vst.idx.add.f32.msk $0xffff, v1  }
0x86: {  	[tilespmem:v2+s17+$0x0] =	vst.idx.add.f32.msk $0xffff, v1  }
0x87: {  	v2 =	vld [tilespmem:s22+$0xFFFFFFD0];
	_ =	sdelay $0x4  }
0x88: {  	v3 =	vand.u32 $0xFFFF, v2  }
0x89: {  	v2 =	vshrl.u32 v2, $0x10;
	_ =	sdelay $0x3  }
0x8a: {  	[tilespmem:v3+s17+$0x0] =	vst.idx.add.f32.msk $0xffff, v1  }
0x8b: {  	[tilespmem:v2+s17+$0x0] =	vst.idx.add.f32.msk $0xffff, v1  }
0x8c: {  	v2 =	vld [tilespmem:s22+$0xFFFFFFE0];
	_ =	sdelay $0x4  }
0x8d: {  	v3 =	vand.u32 $0xFFFF, v2  }
0x8e: {  	v2 =	vshrl.u32 v2, $0x10;
	_ =	sdelay $0x3  }
0x8f: {  	[tilespmem:v3+s17+$0x0] =	vst.idx.add.f32.msk $0xffff, v1  }
0x90: {  	[tilespmem:v2+s17+$0x0] =	vst.idx.add.f32.msk $0xffff, v1  }
0x91: {  	v2 =	vld [tilespmem:s22+$0xFFFFFFF0];
	_ =	sdelay $0x4  }
0x92: {  	v3 =	vand.u32 $0xFFFF, v2  }
0x93: {  	v2 =	vshrl.u32 v2, $0x10;
	_ =	sdelay $0x3  }
0x94: {  	[tilespmem:v3+s17+$0x0] =	vst.idx.add.f32.msk $0xffff, v1  }
0x95: {  	[tilespmem:v2+s17+$0x0] =	vst.idx.add.f32.msk $0xffff, v1  }
0x96: {  	v2 =	vld [tilespmem:s22+$0x0];
	_ =	sdelay $0x4  }
0x97: {  	v3 =	vand.u32 $0xFFFF, v2  }
0x98: {  	v2 =	vshrl.u32 v2, $0x10;
	_ =	sdelay $0x3  }
0x99: {  	[tilespmem:v3+s17+$0x0] =	vst.idx.add.f32.msk $0xffff, v1  }
0x9a: {  	[tilespmem:v2+s17+$0x0] =	vst.idx.add.f32.msk $0xffff, v1  }
0x9b: {  	v2 =	vld [tilespmem:s22+$0x10];
	_ =	sdelay $0x4  }
0x9c: {  	v3 =	vand.u32 $0xFFFF, v2  }
0x9d: {  	v2 =	vshrl.u32 v2, $0x10;
	_ =	sdelay $0x3  }
0x9e: {  	[tilespmem:v3+s17+$0x0] =	vst.idx.add.f32.msk $0xffff, v1  }
0x9f: {  	[tilespmem:v2+s17+$0x0] =	vst.idx.add.f32.msk $0xffff, v1  }
0xa0: {  	v2 =	vld [tilespmem:s22+$0x20];
	_ =	sdelay $0x4  }
0xa1: {  	v3 =	vand.u32 $0xFFFF, v2  }
0xa2: {  	v2 =	vshrl.u32 v2, $0x10;
	_ =	sdelay $0x3  }
0xa3: {  	[tilespmem:v3+s17+$0x0] =	vst.idx.add.f32.msk $0xffff, v1  }
0xa4: {  	[tilespmem:v2+s17+$0x0] =	vst.idx.add.f32.msk $0xffff, v1  }
0xa5: {  	v2 =	vld [tilespmem:s22+$0x30];
	_ =	sdelay $0x4  }
0xa6: {  	s21 =	sadd.s32 $0x8, s21;
	v3 =	vand.u32 $0xFFFF, v2  }
0xa7: {  	p0 =	slt.u32 s21, $0x2B8;
	v2 =	vshrl.u32 v2, $0x10  }
.Ltmp3:
0xa8: {  	_ = 	snop;
	(pc) =	sbr.rel @p0 .LBB2_8-.Ltmp3, $3  }
0xa9: {  	_ =	sdelay $0x1  }
0xaa: {  	[tilespmem:v3+s17+$0x0] =	vst.idx.add.f32.msk $0xffff, v1  }
0xab: {  	s22 =	sadd.s32 $0x80, s22;
	[tilespmem:v2+s17+$0x0] =	vst.idx.add.f32.msk $0xffff, v1  }
0xac: {  	[tilespmem:s2], [sflag:$0x1] =	stream.strided.gather [hbm4b:s7+s13], $0x2C00, s14, s13, $0x38;
	[tilespmem:$0x10000] =	vst v63  }
0xad: {  	_ =	swait.ge [sflag:s18], $0x2C00  }
0xae: {  	[sflag:s18] =	ssyncset.done $0x0  }
0xaf: {  	s21 =	simm.s32 $0xFFFFFFF8;
	s22 =	simm.s32 $0x2C40;
	[sflag:s18] =	ssyncadd.s32 $0xFFFFD400  }
.LBB2_10:
0xb0: {  	v2 =	vld [tilespmem:s22+$0xFFFFFFC0];
	_ =	sdelay $0x4  }
0xb1: {  	v3 =	vand.u32 $0xFFFF, v2  }
0xb2: {  	v2 =	vshrl.u32 v2, $0x10;
	_ =	sdelay $0x3  }
0xb3: {  	[tilespmem:v3+s17+$0x0] =	vst.idx.add.f32.msk $0xffff, v1  }
0xb4: {  	[tilespmem:v2+s17+$0x0] =	vst.idx.add.f32.msk $0xffff, v1  }
0xb5: {  	v2 =	vld [tilespmem:s22+$0xFFFFFFD0];
	_ =	sdelay $0x4  }
0xb6: {  	v3 =	vand.u32 $0xFFFF, v2  }
0xb7: {  	v2 =	vshrl.u32 v2, $0x10;
	_ =	sdelay $0x3  }
0xb8: {  	[tilespmem:v3+s17+$0x0] =	vst.idx.add.f32.msk $0xffff, v1  }
0xb9: {  	[tilespmem:v2+s17+$0x0] =	vst.idx.add.f32.msk $0xffff, v1  }
0xba: {  	v2 =	vld [tilespmem:s22+$0xFFFFFFE0];
	_ =	sdelay $0x4  }
0xbb: {  	v3 =	vand.u32 $0xFFFF, v2  }
0xbc: {  	v2 =	vshrl.u32 v2, $0x10;
	_ =	sdelay $0x3  }
0xbd: {  	[tilespmem:v3+s17+$0x0] =	vst.idx.add.f32.msk $0xffff, v1  }
0xbe: {  	[tilespmem:v2+s17+$0x0] =	vst.idx.add.f32.msk $0xffff, v1  }
0xbf: {  	v2 =	vld [tilespmem:s22+$0xFFFFFFF0];
	_ =	sdelay $0x4  }
0xc0: {  	v3 =	vand.u32 $0xFFFF, v2  }
0xc1: {  	v2 =	vshrl.u32 v2, $0x10;
	_ =	sdelay $0x3  }
0xc2: {  	[tilespmem:v3+s17+$0x0] =	vst.idx.add.f32.msk $0xffff, v1  }
0xc3: {  	[tilespmem:v2+s17+$0x0] =	vst.idx.add.f32.msk $0xffff, v1  }
0xc4: {  	v2 =	vld [tilespmem:s22+$0x0];
	_ =	sdelay $0x4  }
0xc5: {  	v3 =	vand.u32 $0xFFFF, v2  }
0xc6: {  	v2 =	vshrl.u32 v2, $0x10;
	_ =	sdelay $0x3  }
0xc7: {  	[tilespmem:v3+s17+$0x0] =	vst.idx.add.f32.msk $0xffff, v1  }
0xc8: {  	[tilespmem:v2+s17+$0x0] =	vst.idx.add.f32.msk $0xffff, v1  }
0xc9: {  	v2 =	vld [tilespmem:s22+$0x10];
	_ =	sdelay $0x4  }
0xca: {  	v3 =	vand.u32 $0xFFFF, v2  }
0xcb: {  	v2 =	vshrl.u32 v2, $0x10;
	_ =	sdelay $0x3  }
0xcc: {  	[tilespmem:v3+s17+$0x0] =	vst.idx.add.f32.msk $0xffff, v1  }
0xcd: {  	[tilespmem:v2+s17+$0x0] =	vst.idx.add.f32.msk $0xffff, v1  }
0xce: {  	v2 =	vld [tilespmem:s22+$0x20];
	_ =	sdelay $0x4  }
0xcf: {  	v3 =	vand.u32 $0xFFFF, v2  }
0xd0: {  	v2 =	vshrl.u32 v2, $0x10;
	_ =	sdelay $0x3  }
0xd1: {  	[tilespmem:v3+s17+$0x0] =	vst.idx.add.f32.msk $0xffff, v1  }
0xd2: {  	[tilespmem:v2+s17+$0x0] =	vst.idx.add.f32.msk $0xffff, v1  }
0xd3: {  	v2 =	vld [tilespmem:s22+$0x30];
	_ =	sdelay $0x4  }
0xd4: {  	s21 =	sadd.s32 $0x8, s21;
	v3 =	vand.u32 $0xFFFF, v2  }
0xd5: {  	p0 =	slt.u32 s21, $0x2B8;
	v2 =	vshrl.u32 v2, $0x10  }
.Ltmp4:
0xd6: {  	_ = 	snop;
	(pc) =	sbr.rel @p0 .LBB2_10-.Ltmp4, $3  }
0xd7: {  	_ =	sdelay $0x1  }
0xd8: {  	[tilespmem:v3+s17+$0x0] =	vst.idx.add.f32.msk $0xffff, v1  }
0xd9: {  	s22 =	sadd.s32 $0x80, s22;
	[tilespmem:v2+s17+$0x0] =	vst.idx.add.f32.msk $0xffff, v1  }
0xda: {  	[tilespmem:s15], [sflag:$0x2] =	stream.strided.gather [hbm4b:s8+s13], $0x2C00, s14, s13, $0x38;
	[tilespmem:$0x10000] =	vst v63  }
0xdb: {  	_ =	swait.ge [sflag:s16], $0x2C00  }
0xdc: {  	[sflag:s16] =	ssyncset.done $0x0  }
0xdd: {  	s21 =	simm.s32 $0xFFFFFFF8;
	s22 =	simm.s32 $0x40;
	[sflag:s16] =	ssyncadd.s32 $0xFFFFD400  }
.LBB2_12:
0xde: {  	v2 =	vld [tilespmem:s22+$0xFFFFFFC0];
	_ =	sdelay $0x4  }
0xdf: {  	v3 =	vand.u32 $0xFFFF, v2  }
0xe0: {  	v2 =	vshrl.u32 v2, $0x10;
	_ =	sdelay $0x3  }
0xe1: {  	[tilespmem:v3+s17+$0x0] =	vst.idx.add.f32.msk $0xffff, v1  }
0xe2: {  	[tilespmem:v2+s17+$0x0] =	vst.idx.add.f32.msk $0xffff, v1  }
0xe3: {  	v2 =	vld [tilespmem:s22+$0xFFFFFFD0];
	_ =	sdelay $0x4  }
0xe4: {  	v3 =	vand.u32 $0xFFFF, v2  }
0xe5: {  	v2 =	vshrl.u32 v2, $0x10;
	_ =	sdelay $0x3  }
0xe6: {  	[tilespmem:v3+s17+$0x0] =	vst.idx.add.f32.msk $0xffff, v1  }
0xe7: {  	[tilespmem:v2+s17+$0x0] =	vst.idx.add.f32.msk $0xffff, v1  }
0xe8: {  	v2 =	vld [tilespmem:s22+$0xFFFFFFE0];
	_ =	sdelay $0x4  }
0xe9: {  	v3 =	vand.u32 $0xFFFF, v2  }
0xea: {  	v2 =	vshrl.u32 v2, $0x10;
	_ =	sdelay $0x3  }
0xeb: {  	[tilespmem:v3+s17+$0x0] =	vst.idx.add.f32.msk $0xffff, v1  }
0xec: {  	[tilespmem:v2+s17+$0x0] =	vst.idx.add.f32.msk $0xffff, v1  }
0xed: {  	v2 =	vld [tilespmem:s22+$0xFFFFFFF0];
	_ =	sdelay $0x4  }
0xee: {  	v3 =	vand.u32 $0xFFFF, v2  }
0xef: {  	v2 =	vshrl.u32 v2, $0x10;
	_ =	sdelay $0x3  }
0xf0: {  	[tilespmem:v3+s17+$0x0] =	vst.idx.add.f32.msk $0xffff, v1  }
0xf1: {  	[tilespmem:v2+s17+$0x0] =	vst.idx.add.f32.msk $0xffff, v1  }
0xf2: {  	v2 =	vld [tilespmem:s22+$0x0];
	_ =	sdelay $0x4  }
0xf3: {  	v3 =	vand.u32 $0xFFFF, v2  }
0xf4: {  	v2 =	vshrl.u32 v2, $0x10;
	_ =	sdelay $0x3  }
0xf5: {  	[tilespmem:v3+s17+$0x0] =	vst.idx.add.f32.msk $0xffff, v1  }
0xf6: {  	[tilespmem:v2+s17+$0x0] =	vst.idx.add.f32.msk $0xffff, v1  }
0xf7: {  	v2 =	vld [tilespmem:s22+$0x10];
	_ =	sdelay $0x4  }
0xf8: {  	v3 =	vand.u32 $0xFFFF, v2  }
0xf9: {  	v2 =	vshrl.u32 v2, $0x10;
	_ =	sdelay $0x3  }
0xfa: {  	[tilespmem:v3+s17+$0x0] =	vst.idx.add.f32.msk $0xffff, v1  }
0xfb: {  	[tilespmem:v2+s17+$0x0] =	vst.idx.add.f32.msk $0xffff, v1  }
0xfc: {  	v2 =	vld [tilespmem:s22+$0x20];
	_ =	sdelay $0x4  }
0xfd: {  	v3 =	vand.u32 $0xFFFF, v2  }
0xfe: {  	v2 =	vshrl.u32 v2, $0x10;
	_ =	sdelay $0x3  }
0xff: {  	[tilespmem:v3+s17+$0x0] =	vst.idx.add.f32.msk $0xffff, v1  }
0x100: {  	[tilespmem:v2+s17+$0x0] =	vst.idx.add.f32.msk $0xffff, v1  }
0x101: {  	v2 =	vld [tilespmem:s22+$0x30];
	_ =	sdelay $0x4  }
0x102: {  	s21 =	sadd.s32 $0x8, s21;
	v3 =	vand.u32 $0xFFFF, v2  }
0x103: {  	p0 =	slt.u32 s21, $0x2B8;
	v2 =	vshrl.u32 v2, $0x10  }
.Ltmp5:
0x104: {  	_ = 	snop;
	(pc) =	sbr.rel @p0 .LBB2_12-.Ltmp5, $3  }
0x105: {  	_ =	sdelay $0x1  }
0x106: {  	[tilespmem:v3+s17+$0x0] =	vst.idx.add.f32.msk $0xffff, v1  }
0x107: {  	s22 =	sadd.s32 $0x80, s22;
	[tilespmem:v2+s17+$0x0] =	vst.idx.add.f32.msk $0xffff, v1  }
0x108: {  	[tilespmem:s2], [sflag:$0x1] =	stream.strided.gather [hbm4b:s9+s13], $0x2C00, s14, s13, $0x38;
	[tilespmem:$0x10000] =	vst v63  }
0x109: {  	_ =	swait.ge [sflag:s18], $0x2C00  }
0x10a: {  	[sflag:s18] =	ssyncset.done $0x0  }
0x10b: {  	s21 =	simm.s32 $0xFFFFFFF8;
	s22 =	simm.s32 $0x2C40;
	[sflag:s18] =	ssyncadd.s32 $0xFFFFD400  }
.LBB2_14:
0x10c: {  	v2 =	vld [tilespmem:s22+$0xFFFFFFC0];
	_ =	sdelay $0x4  }
0x10d: {  	v3 =	vand.u32 $0xFFFF, v2  }
0x10e: {  	v2 =	vshrl.u32 v2, $0x10;
	_ =	sdelay $0x3  }
0x10f: {  	[tilespmem:v3+s17+$0x0] =	vst.idx.add.f32.msk $0xffff, v1  }
0x110: {  	[tilespmem:v2+s17+$0x0] =	vst.idx.add.f32.msk $0xffff, v1  }
0x111: {  	v2 =	vld [tilespmem:s22+$0xFFFFFFD0];
	_ =	sdelay $0x4  }
0x112: {  	v3 =	vand.u32 $0xFFFF, v2  }
0x113: {  	v2 =	vshrl.u32 v2, $0x10;
	_ =	sdelay $0x3  }
0x114: {  	[tilespmem:v3+s17+$0x0] =	vst.idx.add.f32.msk $0xffff, v1  }
0x115: {  	[tilespmem:v2+s17+$0x0] =	vst.idx.add.f32.msk $0xffff, v1  }
0x116: {  	v2 =	vld [tilespmem:s22+$0xFFFFFFE0];
	_ =	sdelay $0x4  }
0x117: {  	v3 =	vand.u32 $0xFFFF, v2  }
0x118: {  	v2 =	vshrl.u32 v2, $0x10;
	_ =	sdelay $0x3  }
0x119: {  	[tilespmem:v3+s17+$0x0] =	vst.idx.add.f32.msk $0xffff, v1  }
0x11a: {  	[tilespmem:v2+s17+$0x0] =	vst.idx.add.f32.msk $0xffff, v1  }
0x11b: {  	v2 =	vld [tilespmem:s22+$0xFFFFFFF0];
	_ =	sdelay $0x4  }
0x11c: {  	v3 =	vand.u32 $0xFFFF, v2  }
0x11d: {  	v2 =	vshrl.u32 v2, $0x10;
	_ =	sdelay $0x3  }
0x11e: {  	[tilespmem:v3+s17+$0x0] =	vst.idx.add.f32.msk $0xffff, v1  }
0x11f: {  	[tilespmem:v2+s17+$0x0] =	vst.idx.add.f32.msk $0xffff, v1  }
0x120: {  	v2 =	vld [tilespmem:s22+$0x0];
	_ =	sdelay $0x4  }
0x121: {  	v3 =	vand.u32 $0xFFFF, v2  }
0x122: {  	v2 =	vshrl.u32 v2, $0x10;
	_ =	sdelay $0x3  }
0x123: {  	[tilespmem:v3+s17+$0x0] =	vst.idx.add.f32.msk $0xffff, v1  }
0x124: {  	[tilespmem:v2+s17+$0x0] =	vst.idx.add.f32.msk $0xffff, v1  }
0x125: {  	v2 =	vld [tilespmem:s22+$0x10];
	_ =	sdelay $0x4  }
0x126: {  	v3 =	vand.u32 $0xFFFF, v2  }
0x127: {  	v2 =	vshrl.u32 v2, $0x10;
	_ =	sdelay $0x3  }
0x128: {  	[tilespmem:v3+s17+$0x0] =	vst.idx.add.f32.msk $0xffff, v1  }
0x129: {  	[tilespmem:v2+s17+$0x0] =	vst.idx.add.f32.msk $0xffff, v1  }
0x12a: {  	v2 =	vld [tilespmem:s22+$0x20];
	_ =	sdelay $0x4  }
0x12b: {  	v3 =	vand.u32 $0xFFFF, v2  }
0x12c: {  	v2 =	vshrl.u32 v2, $0x10;
	_ =	sdelay $0x3  }
0x12d: {  	[tilespmem:v3+s17+$0x0] =	vst.idx.add.f32.msk $0xffff, v1  }
0x12e: {  	[tilespmem:v2+s17+$0x0] =	vst.idx.add.f32.msk $0xffff, v1  }
0x12f: {  	v2 =	vld [tilespmem:s22+$0x30];
	_ =	sdelay $0x4  }
0x130: {  	s21 =	sadd.s32 $0x8, s21;
	v3 =	vand.u32 $0xFFFF, v2  }
0x131: {  	p0 =	slt.u32 s21, $0x2B8;
	v2 =	vshrl.u32 v2, $0x10  }
.Ltmp6:
0x132: {  	_ = 	snop;
	(pc) =	sbr.rel @p0 .LBB2_14-.Ltmp6, $3  }
0x133: {  	_ =	sdelay $0x1  }
0x134: {  	[tilespmem:v3+s17+$0x0] =	vst.idx.add.f32.msk $0xffff, v1  }
0x135: {  	s22 =	sadd.s32 $0x80, s22;
	[tilespmem:v2+s17+$0x0] =	vst.idx.add.f32.msk $0xffff, v1  }
0x136: {  	[tilespmem:s15], [sflag:$0x2] =	stream.strided.gather [hbm4b:s10+s13], $0x2C00, s14, s13, $0x38;
	[tilespmem:$0x10000] =	vst v63  }
0x137: {  	_ =	swait.ge [sflag:s16], $0x2C00  }
0x138: {  	[sflag:s16] =	ssyncset.done $0x0  }
0x139: {  	s21 =	simm.s32 $0xFFFFFFF8;
	s22 =	simm.s32 $0x40;
	[sflag:s16] =	ssyncadd.s32 $0xFFFFD400  }
.LBB2_16:
0x13a: {  	v2 =	vld [tilespmem:s22+$0xFFFFFFC0];
	_ =	sdelay $0x4  }
0x13b: {  	v3 =	vand.u32 $0xFFFF, v2  }
0x13c: {  	v2 =	vshrl.u32 v2, $0x10;
	_ =	sdelay $0x3  }
0x13d: {  	[tilespmem:v3+s17+$0x0] =	vst.idx.add.f32.msk $0xffff, v1  }
0x13e: {  	[tilespmem:v2+s17+$0x0] =	vst.idx.add.f32.msk $0xffff, v1  }
0x13f: {  	v2 =	vld [tilespmem:s22+$0xFFFFFFD0];
	_ =	sdelay $0x4  }
0x140: {  	v3 =	vand.u32 $0xFFFF, v2  }
0x141: {  	v2 =	vshrl.u32 v2, $0x10;
	_ =	sdelay $0x3  }
0x142: {  	[tilespmem:v3+s17+$0x0] =	vst.idx.add.f32.msk $0xffff, v1  }
0x143: {  	[tilespmem:v2+s17+$0x0] =	vst.idx.add.f32.msk $0xffff, v1  }
0x144: {  	v2 =	vld [tilespmem:s22+$0xFFFFFFE0];
	_ =	sdelay $0x4  }
0x145: {  	v3 =	vand.u32 $0xFFFF, v2  }
0x146: {  	v2 =	vshrl.u32 v2, $0x10;
	_ =	sdelay $0x3  }
0x147: {  	[tilespmem:v3+s17+$0x0] =	vst.idx.add.f32.msk $0xffff, v1  }
0x148: {  	[tilespmem:v2+s17+$0x0] =	vst.idx.add.f32.msk $0xffff, v1  }
0x149: {  	v2 =	vld [tilespmem:s22+$0xFFFFFFF0];
	_ =	sdelay $0x4  }
0x14a: {  	v3 =	vand.u32 $0xFFFF, v2  }
0x14b: {  	v2 =	vshrl.u32 v2, $0x10;
	_ =	sdelay $0x3  }
0x14c: {  	[tilespmem:v3+s17+$0x0] =	vst.idx.add.f32.msk $0xffff, v1  }
0x14d: {  	[tilespmem:v2+s17+$0x0] =	vst.idx.add.f32.msk $0xffff, v1  }
0x14e: {  	v2 =	vld [tilespmem:s22+$0x0];
	_ =	sdelay $0x4  }
0x14f: {  	v3 =	vand.u32 $0xFFFF, v2  }
0x150: {  	v2 =	vshrl.u32 v2, $0x10;
	_ =	sdelay $0x3  }
0x151: {  	[tilespmem:v3+s17+$0x0] =	vst.idx.add.f32.msk $0xffff, v1  }
0x152: {  	[tilespmem:v2+s17+$0x0] =	vst.idx.add.f32.msk $0xffff, v1  }
0x153: {  	v2 =	vld [tilespmem:s22+$0x10];
	_ =	sdelay $0x4  }
0x154: {  	v3 =	vand.u32 $0xFFFF, v2  }
0x155: {  	v2 =	vshrl.u32 v2, $0x10;
	_ =	sdelay $0x3  }
0x156: {  	[tilespmem:v3+s17+$0x0] =	vst.idx.add.f32.msk $0xffff, v1  }
0x157: {  	[tilespmem:v2+s17+$0x0] =	vst.idx.add.f32.msk $0xffff, v1  }
0x158: {  	v2 =	vld [tilespmem:s22+$0x20];
	_ =	sdelay $0x4  }
0x159: {  	v3 =	vand.u32 $0xFFFF, v2  }
0x15a: {  	v2 =	vshrl.u32 v2, $0x10;
	_ =	sdelay $0x3  }
0x15b: {  	[tilespmem:v3+s17+$0x0] =	vst.idx.add.f32.msk $0xffff, v1  }
0x15c: {  	[tilespmem:v2+s17+$0x0] =	vst.idx.add.f32.msk $0xffff, v1  }
0x15d: {  	v2 =	vld [tilespmem:s22+$0x30];
	_ =	sdelay $0x4  }
0x15e: {  	s21 =	sadd.s32 $0x8, s21;
	v3 =	vand.u32 $0xFFFF, v2  }
0x15f: {  	p0 =	slt.u32 s21, $0x2B8;
	v2 =	vshrl.u32 v2, $0x10  }
.Ltmp7:
0x160: {  	_ = 	snop;
	(pc) =	sbr.rel @p0 .LBB2_16-.Ltmp7, $3  }
0x161: {  	_ =	sdelay $0x1  }
0x162: {  	[tilespmem:v3+s17+$0x0] =	vst.idx.add.f32.msk $0xffff, v1  }
0x163: {  	s22 =	sadd.s32 $0x80, s22;
	[tilespmem:v2+s17+$0x0] =	vst.idx.add.f32.msk $0xffff, v1  }
0x164: {  	_ =	swait.ge [sflag:s18], $0x2C00  }
0x165: {  	[sflag:s18] =	ssyncset.done $0x0  }
0x166: {  	s21 =	simm.s32 $0xFFFFFFF8;
	s22 =	simm.s32 $0x2C40;
	[sflag:s18] =	ssyncadd.s32 $0xFFFFD400  }
.LBB2_18:
0x167: {  	v2 =	vld [tilespmem:s22+$0xFFFFFFC0];
	_ =	sdelay $0x4  }
0x168: {  	v3 =	vand.u32 $0xFFFF, v2  }
0x169: {  	v2 =	vshrl.u32 v2, $0x10;
	_ =	sdelay $0x3  }
0x16a: {  	[tilespmem:v3+s17+$0x0] =	vst.idx.add.f32.msk $0xffff, v1  }
0x16b: {  	[tilespmem:v2+s17+$0x0] =	vst.idx.add.f32.msk $0xffff, v1  }
0x16c: {  	v2 =	vld [tilespmem:s22+$0xFFFFFFD0];
	_ =	sdelay $0x4  }
0x16d: {  	v3 =	vand.u32 $0xFFFF, v2  }
0x16e: {  	v2 =	vshrl.u32 v2, $0x10;
	_ =	sdelay $0x3  }
0x16f: {  	[tilespmem:v3+s17+$0x0] =	vst.idx.add.f32.msk $0xffff, v1  }
0x170: {  	[tilespmem:v2+s17+$0x0] =	vst.idx.add.f32.msk $0xffff, v1  }
0x171: {  	v2 =	vld [tilespmem:s22+$0xFFFFFFE0];
	_ =	sdelay $0x4  }
0x172: {  	v3 =	vand.u32 $0xFFFF, v2  }
0x173: {  	v2 =	vshrl.u32 v2, $0x10;
	_ =	sdelay $0x3  }
0x174: {  	[tilespmem:v3+s17+$0x0] =	vst.idx.add.f32.msk $0xffff, v1  }
0x175: {  	[tilespmem:v2+s17+$0x0] =	vst.idx.add.f32.msk $0xffff, v1  }
0x176: {  	v2 =	vld [tilespmem:s22+$0xFFFFFFF0];
	_ =	sdelay $0x4  }
0x177: {  	v3 =	vand.u32 $0xFFFF, v2  }
0x178: {  	v2 =	vshrl.u32 v2, $0x10;
	_ =	sdelay $0x3  }
0x179: {  	[tilespmem:v3+s17+$0x0] =	vst.idx.add.f32.msk $0xffff, v1  }
0x17a: {  	[tilespmem:v2+s17+$0x0] =	vst.idx.add.f32.msk $0xffff, v1  }
0x17b: {  	v2 =	vld [tilespmem:s22+$0x0];
	_ =	sdelay $0x4  }
0x17c: {  	v3 =	vand.u32 $0xFFFF, v2  }
0x17d: {  	v2 =	vshrl.u32 v2, $0x10;
	_ =	sdelay $0x3  }
0x17e: {  	[tilespmem:v3+s17+$0x0] =	vst.idx.add.f32.msk $0xffff, v1  }
0x17f: {  	[tilespmem:v2+s17+$0x0] =	vst.idx.add.f32.msk $0xffff, v1  }
0x180: {  	v2 =	vld [tilespmem:s22+$0x10];
	_ =	sdelay $0x4  }
0x181: {  	v3 =	vand.u32 $0xFFFF, v2  }
0x182: {  	v2 =	vshrl.u32 v2, $0x10;
	_ =	sdelay $0x3  }
0x183: {  	[tilespmem:v3+s17+$0x0] =	vst.idx.add.f32.msk $0xffff, v1  }
0x184: {  	[tilespmem:v2+s17+$0x0] =	vst.idx.add.f32.msk $0xffff, v1  }
0x185: {  	v2 =	vld [tilespmem:s22+$0x20];
	_ =	sdelay $0x4  }
0x186: {  	v3 =	vand.u32 $0xFFFF, v2  }
0x187: {  	v2 =	vshrl.u32 v2, $0x10;
	_ =	sdelay $0x3  }
0x188: {  	[tilespmem:v3+s17+$0x0] =	vst.idx.add.f32.msk $0xffff, v1  }
0x189: {  	[tilespmem:v2+s17+$0x0] =	vst.idx.add.f32.msk $0xffff, v1  }
0x18a: {  	v2 =	vld [tilespmem:s22+$0x30];
	_ =	sdelay $0x4  }
0x18b: {  	s21 =	sadd.s32 $0x8, s21;
	v3 =	vand.u32 $0xFFFF, v2  }
0x18c: {  	p0 =	slt.u32 s21, $0x2B8;
	v2 =	vshrl.u32 v2, $0x10  }
.Ltmp8:
0x18d: {  	_ = 	snop;
	(pc) =	sbr.rel @p0 .LBB2_18-.Ltmp8, $3  }
0x18e: {  	_ =	sdelay $0x1  }
0x18f: {  	[tilespmem:v3+s17+$0x0] =	vst.idx.add.f32.msk $0xffff, v1  }
0x190: {  	s22 =	sadd.s32 $0x80, s22;
	[tilespmem:v2+s17+$0x0] =	vst.idx.add.f32.msk $0xffff, v1  }
0x191: {  	s20 =	sadd.s32 $0x1, s20  }
0x192: {  	p0 =	sne.s32 s20, s12  }
.Ltmp9:
0x193: {  	_ = 	snop;
	(pc) =	sbr.rel @p0 .LBB2_1-.Ltmp9, $4  }
0x194: {  	[hbm4b:s11+s13] =	stream.strided.scatter [tilespmem:s17], [sflag:$0x3], $0xA800, s14, s13, $0x38;
	[tilespmem:$0x10000] =	vst v63  }
0x195: {  	_ =	swait.ge [sflag:s19], $0xA800  }
0x196: {  	[sflag:s19] =	ssyncset.done $0x0  }
0x197: {  	[sflag:s19] =	ssyncadd.s32 $0xFFFF5800  }
0x198: {  	_ =	sfence.sel $0x180000  }
0x199: {  	[bflag:$0x0] =	sbarrier.arrive $0xFFFF  }
0x19a: {  	p0 =	sne.s32 s0, $0x0;
	_ =	strace $0x90000047  }
0x19b: {  	s0 =	sadd.s32 @!p0 $0x100000, s1;
	[bflag:$0x2] =	sbarrier.arrive $0xFFFF  }
0x19c: {  	[sflag:s0] =	ssyncadd.tile.s32 @!p0 $0x1;
	_ =	shalt  }
.Lfunc_end2:
_tile_overlayer_lowered:
.L_overlay_start_2:
0x19d: {  	(tag) =	ssettag $0x2  }
0x19e: {  	s0 =	rddreg [dreg:$0x0];
	s2 =	stileid.u32  }
0x19f: {  	s1 =	rddreg [dreg:$0x1];
	p0 =	sne.s32 s2, $0x0  }
0x1a0: {  	s3 =	rddreg [dreg:$0x2];
	[bflag:$0x3] =	sbarrier.arrive $0xFFFF;
	s2 =	simm.s32 @!p0 $0x1C03  }
0x1a1: {  	[timem:s3], [sflag:s2] =	dma.local @!p0 [hbm:s0], s1  }
0x1a2: {  	s0 =	simm.s32 @!p0 $0x3  }
0x1a3: {  	_ =	swait.ge @!p0 [sflag:s0], s1  }
0x1a4: {  	s1 =	ssub.s32 @!p0 $0x0, s1;
	[sflag:s0] =	ssyncset.done @!p0 $0x0  }
0x1a5: {  	[sflag:s0] =	ssyncadd.s32 @!p0 s1  }
0x1a6: {  	[bflag:$0x3] =	sbarrier.arrive $0xFFFF  }
0x1a7: {  	_ =	shalt  }

</sc_bundles>
